<compile_context>
chip_gen: v7x
topology: tpu7x:2x2x1
jax: 0.10.2.dev20260603
libtpu: 0.0.44.dev20260713+nightly
codegen_flags: <defaults>
</compile_context>

<pallas_src>
import functools

import jax
import jax.numpy as jnp
from jax import lax
from jax.experimental import pallas as pl
from jax.experimental.pallas import tpu as pltpu
from jax.experimental.pallas import tpu_sc as plsc

N = 10000
E = 320000
D = 128
DOUT = 64
NC, NS = 2, 16
NW = NC * NS
LANE = 128
RW = 80
E_PAD = NW * RW * LANE
ROWS = E_PAD // LANE
TRASH = N
NACC = N + 8
RPA = 624
TAIL = N - NS * RPA
ZR = 104
R0, R1 = 120, 40

_mesh = plsc.VectorSubcoreMesh(
    core_axis_name="c", subcore_axis_name="s", num_cores=NC, num_subcores=NS
)


@functools.partial(
    pl.kernel,
    out_type=jax.ShapeDtypeStruct((2 * N, D), jnp.float32),
    mesh=_mesh,
    scratch_types=[
        pltpu.VMEM((LANE,), jnp.int32),
        pltpu.VMEM((LANE, D), jnp.float32),
        pltpu.VMEM_SHARED((NACC, D), jnp.float32),
    ],
)
def _deg_kernel(dst_hbm, z_hbm, ones_hbm, out_hbm, dstv, ones, acc):
    c = lax.axis_index("c")
    s = lax.axis_index("s")
    w = c * NS + s

    pltpu.sync_copy(ones_hbm, ones)

    pltpu.sync_copy(z_hbm.at[pl.ds(s * RPA, RPA)], acc.at[pl.ds(s * RPA, RPA)])

    @pl.when(s == NS - 1)
    def _():
        pltpu.sync_copy(
            z_hbm.at[pl.ds(NS * RPA, TAIL)], acc.at[pl.ds(NS * RPA, TAIL)]
        )

    plsc.subcore_barrier()

    @pl.loop(0, RW)
    def _(j):
        pltpu.sync_copy(dst_hbm.at[pl.ds((w * RW + j) * LANE, LANE)], dstv)
        pltpu.sync_copy(ones, acc.at[dstv], add=True)

    plsc.subcore_barrier()
    pltpu.sync_copy(
        acc.at[pl.ds(s * RPA, RPA)], out_hbm.at[pl.ds(c * N + s * RPA, RPA)]
    )

    @pl.when(s == NS - 1)
    def _():
        pltpu.sync_copy(
            acc.at[pl.ds(NS * RPA, TAIL)],
            out_hbm.at[pl.ds(c * N + NS * RPA, TAIL)],
        )


@functools.partial(
    pl.kernel,
    out_type=jax.ShapeDtypeStruct((2 * N, D), jnp.float32),
    mesh=_mesh,
    scratch_types=[
        pltpu.VMEM((LANE,), jnp.int32),
        pltpu.VMEM((LANE,), jnp.int32),
        pltpu.VMEM((LANE,), jnp.int32),
        pltpu.VMEM((LANE,), jnp.int32),
        pltpu.VMEM((LANE, D), jnp.float32),
        pltpu.VMEM((LANE, D), jnp.float32),
        pltpu.VMEM_SHARED((NACC, D), jnp.float32),
        pltpu.SemaphoreType.DMA,
        pltpu.SemaphoreType.DMA,
    ],
)
def _prop_kernel(h_hbm, src_hbm, dst_hbm, z_hbm, out_hbm,
                 srcv0, dstv0, srcv1, dstv1, buf0, buf1, acc, sg0, sg1):
    c = lax.axis_index("c")
    s = lax.axis_index("s")
    w = c * NS + s

    pltpu.sync_copy(z_hbm.at[pl.ds(s * RPA, RPA)], acc.at[pl.ds(s * RPA, RPA)])

    @pl.when(s == NS - 1)
    def _():
        pltpu.sync_copy(
            z_hbm.at[pl.ds(NS * RPA, TAIL)], acc.at[pl.ds(NS * RPA, TAIL)]
        )

    plsc.subcore_barrier()

    base = jnp.where(c == 0, s * R0, NS * R0 + s * R1)
    rw = jnp.where(c == 0, R0, R1)

    @pl.when(rw > 0)
    def _():
        pltpu.sync_copy(src_hbm.at[pl.ds(base * LANE, LANE)], srcv0)
        pltpu.sync_copy(dst_hbm.at[pl.ds(base * LANE, LANE)], dstv0)
        pltpu.async_copy(h_hbm.at[srcv0], buf0, sg0)
        pltpu.sync_copy(src_hbm.at[pl.ds((base + 1) * LANE, LANE)], srcv1)
        pltpu.sync_copy(dst_hbm.at[pl.ds((base + 1) * LANE, LANE)], dstv1)

    @pl.loop(0, rw, step=2)
    def _(j):
        pltpu.make_async_copy(h_hbm.at[srcv0], buf0, sg0).wait()
        pltpu.async_copy(h_hbm.at[srcv1], buf1, sg1)
        pltpu.sync_copy(buf0, acc.at[dstv0], add=True)

        @pl.when(j + 2 < rw)
        def _():
            pltpu.sync_copy(
                src_hbm.at[pl.ds((base + j + 2) * LANE, LANE)], srcv0
            )
            pltpu.sync_copy(
                dst_hbm.at[pl.ds((base + j + 2) * LANE, LANE)], dstv0
            )

        pltpu.make_async_copy(h_hbm.at[srcv1], buf1, sg1).wait()

        @pl.when(j + 2 < rw)
        def _():
            pltpu.async_copy(h_hbm.at[srcv0], buf0, sg0)

        pltpu.sync_copy(buf1, acc.at[dstv1], add=True)

        @pl.when(j + 3 < rw)
        def _():
            pltpu.sync_copy(
                src_hbm.at[pl.ds((base + j + 3) * LANE, LANE)], srcv1
            )
            pltpu.sync_copy(
                dst_hbm.at[pl.ds((base + j + 3) * LANE, LANE)], dstv1
            )

    plsc.subcore_barrier()
    pltpu.sync_copy(
        acc.at[pl.ds(s * RPA, RPA)], out_hbm.at[pl.ds(c * N + s * RPA, RPA)]
    )

    @pl.when(s == NS - 1)
    def _():
        pltpu.sync_copy(
            acc.at[pl.ds(NS * RPA, TAIL)],
            out_hbm.at[pl.ds(c * N + NS * RPA, TAIL)],
        )


BLK = 1000
GRID = N // BLK


def _layer1_body(x_ref, w_ref, pd0_ref, pd1_ref, h0s_ref, dis_ref):
    deg = 1.0 + pd0_ref[:, 0:1] + pd1_ref[:, 0:1]
    dis = lax.rsqrt(deg)
    h0 = jnp.dot(
        x_ref[...], w_ref[...], preferred_element_type=jnp.float32,
        precision=lax.Precision.HIGHEST,
    )
    h0s_ref[...] = h0 * dis
    dis_ref[...] = jnp.broadcast_to(dis, (BLK, 16))


_layer1 = pl.pallas_call(
    _layer1_body,
    grid=(GRID,),
    in_specs=[
        pl.BlockSpec((BLK, D), lambda i: (i, 0)),
        pl.BlockSpec((D, D), lambda i: (0, 0)),
        pl.BlockSpec((BLK, D), lambda i: (i, 0)),
        pl.BlockSpec((BLK, D), lambda i: (i + GRID, 0)),
    ],
    out_specs=[
        pl.BlockSpec((BLK, D), lambda i: (i, 0)),
        pl.BlockSpec((BLK, 16), lambda i: (i, 0)),
    ],
    out_shape=[
        jax.ShapeDtypeStruct((N, D), jnp.float32),
        jax.ShapeDtypeStruct((N, 16), jnp.float32),
    ],
)


def _layer2_body(p0_ref, p1_ref, h0s_ref, dis_ref, b1_ref, w_ref, h2s_ref):
    disb = dis_ref[:, 0:1]
    h = jnp.maximum(
        (p0_ref[...] + p1_ref[...] + h0s_ref[...]) * disb + b1_ref[...], 0.0
    )
    h2s_ref[...] = jnp.dot(
        h, w_ref[...], preferred_element_type=jnp.float32,
        precision=lax.Precision.HIGHEST,
    ) * disb


_layer2 = pl.pallas_call(
    _layer2_body,
    grid=(GRID,),
    in_specs=[
        pl.BlockSpec((BLK, D), lambda i: (i, 0)),
        pl.BlockSpec((BLK, D), lambda i: (i + GRID, 0)),
        pl.BlockSpec((BLK, D), lambda i: (i, 0)),
        pl.BlockSpec((BLK, 16), lambda i: (i, 0)),
        pl.BlockSpec((1, D), lambda i: (0, 0)),
        pl.BlockSpec((D, D), lambda i: (0, 0)),
    ],
    out_specs=pl.BlockSpec((BLK, D), lambda i: (i, 0)),
    out_shape=jax.ShapeDtypeStruct((N, D), jnp.float32),
)


def _final_body(q0_ref, q1_ref, h2s_ref, dis_ref, bmu_ref, bls_ref, mu_ref, ls_ref):
    disb = dis_ref[:, 0:1]
    out = (q0_ref[...] + q1_ref[...] + h2s_ref[...]) * disb
    mu_ref[...] = out[:, :DOUT] + bmu_ref[...]
    ls_ref[...] = out[:, DOUT:] + bls_ref[...]


_final = pl.pallas_call(
    _final_body,
    grid=(GRID,),
    in_specs=[
        pl.BlockSpec((BLK, D), lambda i: (i, 0)),
        pl.BlockSpec((BLK, D), lambda i: (i + GRID, 0)),
        pl.BlockSpec((BLK, D), lambda i: (i, 0)),
        pl.BlockSpec((BLK, 16), lambda i: (i, 0)),
        pl.BlockSpec((1, DOUT), lambda i: (0, 0)),
        pl.BlockSpec((1, DOUT), lambda i: (0, 0)),
    ],
    out_specs=[
        pl.BlockSpec((BLK, DOUT), lambda i: (i, 0)),
        pl.BlockSpec((BLK, DOUT), lambda i: (i, 0)),
    ],
    out_shape=[
        jax.ShapeDtypeStruct((N, DOUT), jnp.float32),
        jax.ShapeDtypeStruct((N, DOUT), jnp.float32),
    ],
)


def kernel(x, edge_index, W1, b1, W_mu, b_mu, W_ls, b_ls):
    pad = E_PAD - E
    src_p = jnp.concatenate([edge_index[0], jnp.zeros((pad,), jnp.int32)])
    dst_p = jnp.concatenate([edge_index[1], jnp.full((pad,), TRASH, jnp.int32)])
    wcat = jnp.concatenate([W_mu, W_ls], axis=1)

    zerosD = jnp.zeros((N, D), jnp.float32)
    pd = _deg_kernel(dst_p, zerosD, jnp.ones((LANE, D), jnp.float32))
    h0s, dis = _layer1(x, W1, pd, pd)
    p = _prop_kernel(h0s, src_p, dst_p, zerosD)
    h2s = _layer2(p, p, h0s, dis, b1.reshape(1, D), wcat)
    q = _prop_kernel(h2s, src_p, dst_p, zerosD)
    mu, ls = _final(q, q, h2s, dis, b_mu.reshape(1, DOUT), b_ls.reshape(1, DOUT))
    return (mu, ls)

# --- scband reference (transcript-rebuilt; emitter-appended) ---
"""Pipeline reference for scband-encoder-24610162606527 (READ-ONLY COPY).

The authoritative reference and input builder live on the scoring server;
editing this copy changes nothing except your own understanding.
"""

import jax, jax.numpy as jnp
import numpy as np

N = 10000
E = 320000
D_IN = 128
D_HID = 128  # 2 * out_channels
D_OUT = 64   # out_channels


def _glorot(key, shape):
    limit = np.sqrt(6.0 / (shape[0] + shape[1]))
    return jax.random.uniform(key, shape, dtype=jnp.float32, minval=-limit, maxval=limit)


def setup_inputs(seed: int = 0) -> dict:
    key = jax.random.key(seed)
    ks = jax.random.split(key, 8)
    x = jax.random.normal(ks[0], (N, D_IN), dtype=jnp.float32)
    edge_index = jax.random.randint(ks[1], (2, E), 0, N, dtype=jnp.int32)
    W1 = _glorot(ks[2], (D_IN, D_HID))
    b1 = jnp.zeros((D_HID,), dtype=jnp.float32)
    W_mu = _glorot(ks[3], (D_HID, D_OUT))
    b_mu = jnp.zeros((D_OUT,), dtype=jnp.float32)
    W_ls = _glorot(ks[4], (D_HID, D_OUT))
    b_ls = jnp.zeros((D_OUT,), dtype=jnp.float32)
    return {"x": x, "edge_index": edge_index, "W1": W1, "b1": b1,
            "W_mu": W_mu, "b_mu": b_mu, "W_ls": W_ls, "b_ls": b_ls}


def _gcn_conv(x, src, dst, norm, W, b, num_nodes):
    # x' = D^{-1/2} (A + I) D^{-1/2} X W + b  (PyG GCNConv semantics)
    h = x @ W
    msg = jnp.take(h, src, axis=0) * norm[:, None]
    out = jnp.zeros((num_nodes, W.shape[1]), dtype=x.dtype).at[dst].add(msg)
    return out + b


def _norm_coeffs(edge_index, num_nodes):
    loop = jnp.arange(num_nodes, dtype=edge_index.dtype)
    src = jnp.concatenate([edge_index[0], loop])
    dst = jnp.concatenate([edge_index[1], loop])
    deg = jnp.zeros((num_nodes,), dtype=jnp.float32).at[dst].add(1.0)
    dis = jnp.where(deg > 0, jax.lax.rsqrt(deg), 0.0)
    norm = jnp.take(dis, src) * jnp.take(dis, dst)
    return src, dst, norm


def reference(x, edge_index, W1, b1, W_mu, b_mu, W_ls, b_ls):
    num_nodes = x.shape[0]
    src, dst, norm = _norm_coeffs(edge_index, num_nodes)
    h = jax.nn.relu(_gcn_conv(x, src, dst, norm, W1, b1, num_nodes))
    mu = _gcn_conv(h, src, dst, norm, W_mu, b_mu, num_nodes)
    logstd = _gcn_conv(h, src, dst, norm, W_ls, b_ls, num_nodes)
    return (mu, logstd)

if __name__ == "__main__":
    import jax
    _d = setup_inputs()
    print(jax.jit(kernel)(*tuple(_d.values())))

</pallas_src>

<mosaic_0001>
#map = affine_map<(d0, d1) -> (0, 0)>
#map1 = affine_map<(d0, d1) -> (0)>
module attributes {stable_mosaic.version = 14 : i64} {
  func.func @_prop_kernel(%arg0: i32, %arg1: i32, %arg2: memref<10000x128xf32, #tpu.memory_space<hbm>>, %arg3: memref<327680xi32, #tpu.memory_space<hbm>>, %arg4: memref<327680xi32, #tpu.memory_space<hbm>>, %arg5: memref<10000x128xf32, #tpu.memory_space<hbm>>, %arg6: memref<20000x128xf32, #tpu.memory_space<hbm>>, %arg7: memref<128xi32, #tpu.memory_space<vmem>>, %arg8: memref<128xi32, #tpu.memory_space<vmem>>, %arg9: memref<128xi32, #tpu.memory_space<vmem>>, %arg10: memref<128xi32, #tpu.memory_space<vmem>>, %arg11: memref<128x128xf32, #tpu.memory_space<vmem>>, %arg12: memref<128x128xf32, #tpu.memory_space<vmem>>, %arg13: memref<10008x128xf32, #tpu.memory_space<vmem_shared>>, %arg14: memref<!tpu.dma_semaphore, #tpu.memory_space<semaphore_mem>>, %arg15: memref<!tpu.dma_semaphore, #tpu.memory_space<semaphore_mem>>) attributes {dimension_semantics = [#tpu.dimension_semantics<core_parallel>, #tpu.dimension_semantics<subcore_parallel>], iteration_bounds = array<i64: 2, 16>, scalar_prefetch = 0 : i64, scratch_operands = 9 : i64, tpu.core_type = #tpu.core_type<sc_vector_subcore>, window_params = [{transform_indices = #map}, {transform_indices = #map1}, {transform_indices = #map1}, {transform_indices = #map}, {transform_indices = #map}]} {
    %mul3A = arith.constant 16 : i32
    %mul3A_0 = arith.muli %arg0, %mul3A : i32
    %add3A = arith.addi %mul3A_0, %arg1 : i32
    %mul3A_1 = arith.constant 624 : i32
    %mul3A_2 = arith.muli %arg1, %mul3A_1 : i32
    %mul3A_3 = arith.constant 624 : i32
    %mul3A_4 = arith.muli %arg1, %mul3A_3 : i32
    "tpu.region"() ({
      %run_scoped3A = tpu.sem_alloc : memref<!tpu.dma_semaphore, #tpu.memory_space<semaphore_mem>>
      %dma_start3A = arith.constant 0 : i32
      %dma_start3A_52 = tpu.memref_slice %arg13[%mul3A_4, %dma_start3A] : memref<10008x128xf32, #tpu.memory_space<vmem_shared>> -> memref<624x128xf32, #tpu.memory_space<vmem_shared>>
      %dma_start3A_53 = arith.constant 0 : i32
      %dma_start3A_54 = tpu.memref_slice %arg5[%mul3A_2, %dma_start3A_53] : memref<10000x128xf32, #tpu.memory_space<hbm>> -> memref<624x128xf32, #tpu.memory_space<hbm>>
      tpu.enqueue_dma source(%dma_start3A_54 : memref<624x128xf32, #tpu.memory_space<hbm>>) target(%dma_start3A_52 : memref<624x128xf32, #tpu.memory_space<vmem_shared>>) target_semaphore(%run_scoped3A : memref<!tpu.dma_semaphore, #tpu.memory_space<semaphore_mem>>)
      %dma_wait3A = arith.constant 0 : i32
      %dma_wait3A_55 = tpu.memref_slice %arg13[%mul3A_4, %dma_wait3A] : memref<10008x128xf32, #tpu.memory_space<vmem_shared>> -> memref<624x128xf32, #tpu.memory_space<vmem_shared>>
      %dma_wait3A_56 = arith.constant 0 : i32
      %dma_wait3A_57 = tpu.memref_slice %arg5[%mul3A_2, %dma_wait3A_56] : memref<10000x128xf32, #tpu.memory_space<hbm>> -> memref<624x128xf32, #tpu.memory_space<hbm>>
      tpu.wait_dma2 semaphore(%run_scoped3A : memref<!tpu.dma_semaphore, #tpu.memory_space<semaphore_mem>>) src(%dma_wait3A_57 : memref<624x128xf32, #tpu.memory_space<hbm>>) dst(%dma_wait3A_55 : memref<624x128xf32, #tpu.memory_space<vmem_shared>>)
      tpu.yield
    }) : () -> ()
    %eq3A = arith.constant 15 : i32
    %eq3A_5 = arith.cmpi eq, %arg1, %eq3A : i32
    %convert_element_type3A = arith.extui %eq3A_5 : i1 to i32
    %cond3A = arith.constant 0 : i32
    %cond3A_6 = arith.cmpi ne, %convert_element_type3A, %cond3A : i32
    scf.if %cond3A_6 {
      "tpu.region"() ({
        %run_scoped3A = tpu.sem_alloc : memref<!tpu.dma_semaphore, #tpu.memory_space<semaphore_mem>>
        %dma_start3A = arith.constant 9984 : i32
        %dma_start3A_52 = arith.constant 0 : i32
        %dma_start3A_53 = tpu.memref_slice %arg13[%dma_start3A, %dma_start3A_52] : memref<10008x128xf32, #tpu.memory_space<vmem_shared>> -> memref<16x128xf32, #tpu.memory_space<vmem_shared>>
        %dma_start3A_54 = arith.constant 9984 : i32
        %dma_start3A_55 = arith.constant 0 : i32
        %dma_start3A_56 = tpu.memref_slice %arg5[%dma_start3A_54, %dma_start3A_55] : memref<10000x128xf32, #tpu.memory_space<hbm>> -> memref<16x128xf32, #tpu.memory_space<hbm>>
        tpu.enqueue_dma source(%dma_start3A_56 : memref<16x128xf32, #tpu.memory_space<hbm>>) target(%dma_start3A_53 : memref<16x128xf32, #tpu.memory_space<vmem_shared>>) target_semaphore(%run_scoped3A : memref<!tpu.dma_semaphore, #tpu.memory_space<semaphore_mem>>)
        %dma_wait3A = arith.constant 9984 : i32
        %dma_wait3A_57 = arith.constant 0 : i32
        %dma_wait3A_58 = tpu.memref_slice %arg13[%dma_wait3A, %dma_wait3A_57] : memref<10008x128xf32, #tpu.memory_space<vmem_shared>> -> memref<16x128xf32, #tpu.memory_space<vmem_shared>>
        %dma_wait3A_59 = arith.constant 9984 : i32
        %dma_wait3A_60 = arith.constant 0 : i32
        %dma_wait3A_61 = tpu.memref_slice %arg5[%dma_wait3A_59, %dma_wait3A_60] : memref<10000x128xf32, #tpu.memory_space<hbm>> -> memref<16x128xf32, #tpu.memory_space<hbm>>
        tpu.wait_dma2 semaphore(%run_scoped3A : memref<!tpu.dma_semaphore, #tpu.memory_space<semaphore_mem>>) src(%dma_wait3A_61 : memref<16x128xf32, #tpu.memory_space<hbm>>) dst(%dma_wait3A_58 : memref<16x128xf32, #tpu.memory_space<vmem_shared>>)
        tpu.yield
      }) : () -> ()
    } else {
    }
    %barrier3A = arith.constant 0 : index
    tpu.barrier barrier_id(%barrier3A)
    %eq3A_7 = arith.constant 0 : i32
    %eq3A_8 = arith.cmpi eq, %arg0, %eq3A_7 : i32
    %mul3A_9 = arith.constant 120 : i32
    %mul3A_10 = arith.muli %arg1, %mul3A_9 : i32
    %mul3A_11 = arith.constant 40 : i32
    %mul3A_12 = arith.muli %arg1, %mul3A_11 : i32
    %add3A_13 = arith.constant 1920 : i32
    %add3A_14 = arith.addi %add3A_13, %mul3A_12 : i32
    %select_n3A = arith.select %eq3A_8, %mul3A_10, %add3A_14 : i32
    %eq3A_15 = arith.constant 0 : i32
    %eq3A_16 = arith.cmpi eq, %arg0, %eq3A_15 : i32
    %jit3A = arith.constant 120 : i32
    %jit3A_17 = arith.constant 40 : i32
    %select_n3A_18 = arith.select %eq3A_16, %jit3A, %jit3A_17 : i32
    %gt3A = arith.constant 0 : i32
    %gt3A_19 = arith.cmpi sgt, %select_n3A_18, %gt3A : i32
    %convert_element_type3A_20 = arith.extui %gt3A_19 : i1 to i32
    %cond3A_21 = arith.constant 0 : i32
    %cond3A_22 = arith.cmpi ne, %convert_element_type3A_20, %cond3A_21 : i32
    scf.if %cond3A_22 {
      %mul3A_52 = arith.constant 128 : i32
      %mul3A_53 = arith.muli %select_n3A, %mul3A_52 : i32
      "tpu.region"() ({
        %run_scoped3A = tpu.sem_alloc : memref<!tpu.dma_semaphore, #tpu.memory_space<semaphore_mem>>
        %dma_start3A_66 = tpu.memref_slice %arg3[%mul3A_53] : memref<327680xi32, #tpu.memory_space<hbm>> -> memref<128xi32, #tpu.memory_space<hbm>>
        %dma_start3A_67 = tpu.memref_slice %arg3[%mul3A_53] : memref<327680xi32, #tpu.memory_space<hbm>> -> memref<128xi32, #tpu.memory_space<hbm>>
        tpu.enqueue_dma source(%dma_start3A_67 : memref<128xi32, #tpu.memory_space<hbm>>) target(%arg7 : memref<128xi32, #tpu.memory_space<vmem>>) target_semaphore(%run_scoped3A : memref<!tpu.dma_semaphore, #tpu.memory_space<semaphore_mem>>)
        %dma_wait3A = tpu.memref_slice %arg3[%mul3A_53] : memref<327680xi32, #tpu.memory_space<hbm>> -> memref<128xi32, #tpu.memory_space<hbm>>
        %dma_wait3A_68 = tpu.memref_slice %arg3[%mul3A_53] : memref<327680xi32, #tpu.memory_space<hbm>> -> memref<128xi32, #tpu.memory_space<hbm>>
        tpu.wait_dma2 semaphore(%run_scoped3A : memref<!tpu.dma_semaphore, #tpu.memory_space<semaphore_mem>>) src(%dma_wait3A_68 : memref<128xi32, #tpu.memory_space<hbm>>) dst(%arg7 : memref<128xi32, #tpu.memory_space<vmem>>)
        tpu.yield
      }) : () -> ()
      %mul3A_54 = arith.constant 128 : i32
      %mul3A_55 = arith.muli %select_n3A, %mul3A_54 : i32
      "tpu.region"() ({
        %run_scoped3A = tpu.sem_alloc : memref<!tpu.dma_semaphore, #tpu.memory_space<semaphore_mem>>
        %dma_start3A_66 = tpu.memref_slice %arg4[%mul3A_55] : memref<327680xi32, #tpu.memory_space<hbm>> -> memref<128xi32, #tpu.memory_space<hbm>>
        %dma_start3A_67 = tpu.memref_slice %arg4[%mul3A_55] : memref<327680xi32, #tpu.memory_space<hbm>> -> memref<128xi32, #tpu.memory_space<hbm>>
        tpu.enqueue_dma source(%dma_start3A_67 : memref<128xi32, #tpu.memory_space<hbm>>) target(%arg8 : memref<128xi32, #tpu.memory_space<vmem>>) target_semaphore(%run_scoped3A : memref<!tpu.dma_semaphore, #tpu.memory_space<semaphore_mem>>)
        %dma_wait3A = tpu.memref_slice %arg4[%mul3A_55] : memref<327680xi32, #tpu.memory_space<hbm>> -> memref<128xi32, #tpu.memory_space<hbm>>
        %dma_wait3A_68 = tpu.memref_slice %arg4[%mul3A_55] : memref<327680xi32, #tpu.memory_space<hbm>> -> memref<128xi32, #tpu.memory_space<hbm>>
        tpu.wait_dma2 semaphore(%run_scoped3A : memref<!tpu.dma_semaphore, #tpu.memory_space<semaphore_mem>>) src(%dma_wait3A_68 : memref<128xi32, #tpu.memory_space<hbm>>) dst(%arg8 : memref<128xi32, #tpu.memory_space<vmem>>)
        tpu.yield
      }) : () -> ()
      %dma_start3A = arith.constant 0 : i32
      %dma_start3A_56 = arith.constant 0 : i32
      %dma_start3A_57 = tpu.memref_slice %arg2[%dma_start3A, %dma_start3A_56] : memref<10000x128xf32, #tpu.memory_space<hbm>> -> memref<10000x128xf32, #tpu.memory_space<hbm>>
      tpu.enqueue_indirect_dma source(%dma_start3A_57 : memref<10000x128xf32, #tpu.memory_space<hbm>>) target(%arg11 : memref<128x128xf32, #tpu.memory_space<vmem>>) offsets(%arg7 : memref<128xi32, #tpu.memory_space<vmem>>) semaphore(%arg14 : memref<!tpu.dma_semaphore, #tpu.memory_space<semaphore_mem>>)
      %add3A_58 = arith.constant 1 : i32
      %add3A_59 = arith.addi %select_n3A, %add3A_58 : i32
      %mul3A_60 = arith.constant 128 : i32
      %mul3A_61 = arith.muli %add3A_59, %mul3A_60 : i32
      "tpu.region"() ({
        %run_scoped3A = tpu.sem_alloc : memref<!tpu.dma_semaphore, #tpu.memory_space<semaphore_mem>>
        %dma_start3A_66 = tpu.memref_slice %arg3[%mul3A_61] : memref<327680xi32, #tpu.memory_space<hbm>> -> memref<128xi32, #tpu.memory_space<hbm>>
        %dma_start3A_67 = tpu.memref_slice %arg3[%mul3A_61] : memref<327680xi32, #tpu.memory_space<hbm>> -> memref<128xi32, #tpu.memory_space<hbm>>
        tpu.enqueue_dma source(%dma_start3A_67 : memref<128xi32, #tpu.memory_space<hbm>>) target(%arg9 : memref<128xi32, #tpu.memory_space<vmem>>) target_semaphore(%run_scoped3A : memref<!tpu.dma_semaphore, #tpu.memory_space<semaphore_mem>>)
        %dma_wait3A = tpu.memref_slice %arg3[%mul3A_61] : memref<327680xi32, #tpu.memory_space<hbm>> -> memref<128xi32, #tpu.memory_space<hbm>>
        %dma_wait3A_68 = tpu.memref_slice %arg3[%mul3A_61] : memref<327680xi32, #tpu.memory_space<hbm>> -> memref<128xi32, #tpu.memory_space<hbm>>
        tpu.wait_dma2 semaphore(%run_scoped3A : memref<!tpu.dma_semaphore, #tpu.memory_space<semaphore_mem>>) src(%dma_wait3A_68 : memref<128xi32, #tpu.memory_space<hbm>>) dst(%arg9 : memref<128xi32, #tpu.memory_space<vmem>>)
        tpu.yield
      }) : () -> ()
      %add3A_62 = arith.constant 1 : i32
      %add3A_63 = arith.addi %select_n3A, %add3A_62 : i32
      %mul3A_64 = arith.constant 128 : i32
      %mul3A_65 = arith.muli %add3A_63, %mul3A_64 : i32
      "tpu.region"() ({
        %run_scoped3A = tpu.sem_alloc : memref<!tpu.dma_semaphore, #tpu.memory_space<semaphore_mem>>
        %dma_start3A_66 = tpu.memref_slice %arg4[%mul3A_65] : memref<327680xi32, #tpu.memory_space<hbm>> -> memref<128xi32, #tpu.memory_space<hbm>>
        %dma_start3A_67 = tpu.memref_slice %arg4[%mul3A_65] : memref<327680xi32, #tpu.memory_space<hbm>> -> memref<128xi32, #tpu.memory_space<hbm>>
        tpu.enqueue_dma source(%dma_start3A_67 : memref<128xi32, #tpu.memory_space<hbm>>) target(%arg10 : memref<128xi32, #tpu.memory_space<vmem>>) target_semaphore(%run_scoped3A : memref<!tpu.dma_semaphore, #tpu.memory_space<semaphore_mem>>)
        %dma_wait3A = tpu.memref_slice %arg4[%mul3A_65] : memref<327680xi32, #tpu.memory_space<hbm>> -> memref<128xi32, #tpu.memory_space<hbm>>
        %dma_wait3A_68 = tpu.memref_slice %arg4[%mul3A_65] : memref<327680xi32, #tpu.memory_space<hbm>> -> memref<128xi32, #tpu.memory_space<hbm>>
        tpu.wait_dma2 semaphore(%run_scoped3A : memref<!tpu.dma_semaphore, #tpu.memory_space<semaphore_mem>>) src(%dma_wait3A_68 : memref<128xi32, #tpu.memory_space<hbm>>) dst(%arg10 : memref<128xi32, #tpu.memory_space<vmem>>)
        tpu.yield
      }) : () -> ()
    } else {
    }
    %sub3A = arith.constant 0 : i32
    %sub3A_23 = arith.subi %select_n3A_18, %sub3A : i32
    %sub3A_24 = arith.constant 2 : i32
    %sub3A_25 = arith.constant 1 : i32
    %sub3A_26 = arith.subi %sub3A_24, %sub3A_25 : i32
    %add3A_27 = arith.addi %sub3A_23, %sub3A_26 : i32
    %div3A = arith.constant 2 : i32
    %div3A_28 = arith.divsi %add3A_27, %div3A : i32
    %while3A = arith.constant 2 : i32
    %while3A_29 = arith.constant 0 : i32
    %while3A_30 = arith.constant 0 : i32
    %while3A_31 = arith.subi %div3A_28, %while3A_30 : i32
    %while3A_32 = arith.addi %while3A_30, %while3A_31 : i32
    %while3A_33 = arith.constant 1 : i32
    %while3A_34 = arith.divsi %while3A_31, %while3A_33 : i32
    %while3A_35 = arith.muli %while3A_34, %while3A_33 : i32
    %while3A_36 = arith.addi %while3A_30, %while3A_35 : i32
    %while3A_37 = arith.constant 1 : i32
    scf.for %while3A_52 = %while3A_30 to %while3A_36 step %while3A_37  : i32 {
      %mul3A_53 = arith.muli %while3A_52, %while3A : i32
      %add3A_54 = arith.addi %while3A_29, %mul3A_53 : i32
      %dma_wait3A = arith.constant 0 : i32
      %dma_wait3A_55 = arith.constant 0 : i32
      %dma_wait3A_56 = tpu.memref_slice %arg2[%dma_wait3A, %dma_wait3A_55] : memref<10000x128xf32, #tpu.memory_space<hbm>> -> memref<10000x128xf32, #tpu.memory_space<hbm>>
      tpu.wait_indirect_dma semaphore(%arg14 : memref<!tpu.dma_semaphore, #tpu.memory_space<semaphore_mem>>) src(%dma_wait3A_56 : memref<10000x128xf32, #tpu.memory_space<hbm>>) dst(%arg11 : memref<128x128xf32, #tpu.memory_space<vmem>>)
      %dma_start3A = arith.constant 0 : i32
      %dma_start3A_57 = arith.constant 0 : i32
      %dma_start3A_58 = tpu.memref_slice %arg2[%dma_start3A, %dma_start3A_57] : memref<10000x128xf32, #tpu.memory_space<hbm>> -> memref<10000x128xf32, #tpu.memory_space<hbm>>
      tpu.enqueue_indirect_dma source(%dma_start3A_58 : memref<10000x128xf32, #tpu.memory_space<hbm>>) target(%arg12 : memref<128x128xf32, #tpu.memory_space<vmem>>) offsets(%arg9 : memref<128xi32, #tpu.memory_space<vmem>>) semaphore(%arg15 : memref<!tpu.dma_semaphore, #tpu.memory_space<semaphore_mem>>)
      "tpu.region"() ({
        %run_scoped3A = tpu.sem_alloc : memref<!tpu.dma_semaphore, #tpu.memory_space<semaphore_mem>>
        %dma_start3A_79 = arith.constant 0 : i32
        %dma_start3A_80 = arith.constant 0 : i32
        %dma_start3A_81 = tpu.memref_slice %arg13[%dma_start3A_79, %dma_start3A_80] : memref<10008x128xf32, #tpu.memory_space<vmem_shared>> -> memref<10008x128xf32, #tpu.memory_space<vmem_shared>>
        tpu.enqueue_indirect_dma source(%arg11 : memref<128x128xf32, #tpu.memory_space<vmem>>) target(%dma_start3A_81 : memref<10008x128xf32, #tpu.memory_space<vmem_shared>>) offsets(%arg8 : memref<128xi32, #tpu.memory_space<vmem>>) semaphore(%run_scoped3A : memref<!tpu.dma_semaphore, #tpu.memory_space<semaphore_mem>>) {add = true}
        %dma_wait3A_82 = arith.constant 0 : i32
        %dma_wait3A_83 = arith.constant 0 : i32
        %dma_wait3A_84 = tpu.memref_slice %arg13[%dma_wait3A_82, %dma_wait3A_83] : memref<10008x128xf32, #tpu.memory_space<vmem_shared>> -> memref<10008x128xf32, #tpu.memory_space<vmem_shared>>
        tpu.wait_indirect_dma semaphore(%run_scoped3A : memref<!tpu.dma_semaphore, #tpu.memory_space<semaphore_mem>>) src(%arg11 : memref<128x128xf32, #tpu.memory_space<vmem>>) dst(%dma_wait3A_84 : memref<10008x128xf32, #tpu.memory_space<vmem_shared>>)
        tpu.yield
      }) : () -> ()
      %add3A_59 = arith.constant 2 : i32
      %add3A_60 = arith.addi %add3A_54, %add3A_59 : i32
      %lt3A = arith.cmpi slt, %add3A_60, %select_n3A_18 : i32
      %convert_element_type3A_61 = arith.extui %lt3A : i1 to i32
      %cond3A_62 = arith.constant 0 : i32
      %cond3A_63 = arith.cmpi ne, %convert_element_type3A_61, %cond3A_62 : i32
      scf.if %cond3A_63 {
        %add3A_79 = arith.addi %select_n3A, %add3A_54 : i32
        %add3A_80 = arith.constant 2 : i32
        %add3A_81 = arith.addi %add3A_79, %add3A_80 : i32
        %mul3A_82 = arith.constant 128 : i32
        %mul3A_83 = arith.muli %add3A_81, %mul3A_82 : i32
        "tpu.region"() ({
          %run_scoped3A = tpu.sem_alloc : memref<!tpu.dma_semaphore, #tpu.memory_space<semaphore_mem>>
          %dma_start3A_89 = tpu.memref_slice %arg3[%mul3A_83] : memref<327680xi32, #tpu.memory_space<hbm>> -> memref<128xi32, #tpu.memory_space<hbm>>
          %dma_start3A_90 = tpu.memref_slice %arg3[%mul3A_83] : memref<327680xi32, #tpu.memory_space<hbm>> -> memref<128xi32, #tpu.memory_space<hbm>>
          tpu.enqueue_dma source(%dma_start3A_90 : memref<128xi32, #tpu.memory_space<hbm>>) target(%arg7 : memref<128xi32, #tpu.memory_space<vmem>>) target_semaphore(%run_scoped3A : memref<!tpu.dma_semaphore, #tpu.memory_space<semaphore_mem>>)
          %dma_wait3A_91 = tpu.memref_slice %arg3[%mul3A_83] : memref<327680xi32, #tpu.memory_space<hbm>> -> memref<128xi32, #tpu.memory_space<hbm>>
          %dma_wait3A_92 = tpu.memref_slice %arg3[%mul3A_83] : memref<327680xi32, #tpu.memory_space<hbm>> -> memref<128xi32, #tpu.memory_space<hbm>>
          tpu.wait_dma2 semaphore(%run_scoped3A : memref<!tpu.dma_semaphore, #tpu.memory_space<semaphore_mem>>) src(%dma_wait3A_92 : memref<128xi32, #tpu.memory_space<hbm>>) dst(%arg7 : memref<128xi32, #tpu.memory_space<vmem>>)
          tpu.yield
        }) : () -> ()
        %add3A_84 = arith.addi %select_n3A, %add3A_54 : i32
        %add3A_85 = arith.constant 2 : i32
        %add3A_86 = arith.addi %add3A_84, %add3A_85 : i32
        %mul3A_87 = arith.constant 128 : i32
        %mul3A_88 = arith.muli %add3A_86, %mul3A_87 : i32
        "tpu.region"() ({
          %run_scoped3A = tpu.sem_alloc : memref<!tpu.dma_semaphore, #tpu.memory_space<semaphore_mem>>
          %dma_start3A_89 = tpu.memref_slice %arg4[%mul3A_88] : memref<327680xi32, #tpu.memory_space<hbm>> -> memref<128xi32, #tpu.memory_space<hbm>>
          %dma_start3A_90 = tpu.memref_slice %arg4[%mul3A_88] : memref<327680xi32, #tpu.memory_space<hbm>> -> memref<128xi32, #tpu.memory_space<hbm>>
          tpu.enqueue_dma source(%dma_start3A_90 : memref<128xi32, #tpu.memory_space<hbm>>) target(%arg8 : memref<128xi32, #tpu.memory_space<vmem>>) target_semaphore(%run_scoped3A : memref<!tpu.dma_semaphore, #tpu.memory_space<semaphore_mem>>)
          %dma_wait3A_91 = tpu.memref_slice %arg4[%mul3A_88] : memref<327680xi32, #tpu.memory_space<hbm>> -> memref<128xi32, #tpu.memory_space<hbm>>
          %dma_wait3A_92 = tpu.memref_slice %arg4[%mul3A_88] : memref<327680xi32, #tpu.memory_space<hbm>> -> memref<128xi32, #tpu.memory_space<hbm>>
          tpu.wait_dma2 semaphore(%run_scoped3A : memref<!tpu.dma_semaphore, #tpu.memory_space<semaphore_mem>>) src(%dma_wait3A_92 : memref<128xi32, #tpu.memory_space<hbm>>) dst(%arg8 : memref<128xi32, #tpu.memory_space<vmem>>)
          tpu.yield
        }) : () -> ()
      } else {
      }
      %dma_wait3A_64 = arith.constant 0 : i32
      %dma_wait3A_65 = arith.constant 0 : i32
      %dma_wait3A_66 = tpu.memref_slice %arg2[%dma_wait3A_64, %dma_wait3A_65] : memref<10000x128xf32, #tpu.memory_space<hbm>> -> memref<10000x128xf32, #tpu.memory_space<hbm>>
      tpu.wait_indirect_dma semaphore(%arg15 : memref<!tpu.dma_semaphore, #tpu.memory_space<semaphore_mem>>) src(%dma_wait3A_66 : memref<10000x128xf32, #tpu.memory_space<hbm>>) dst(%arg12 : memref<128x128xf32, #tpu.memory_space<vmem>>)
      %add3A_67 = arith.constant 2 : i32
      %add3A_68 = arith.addi %add3A_54, %add3A_67 : i32
      %lt3A_69 = arith.cmpi slt, %add3A_68, %select_n3A_18 : i32
      %convert_element_type3A_70 = arith.extui %lt3A_69 : i1 to i32
      %cond3A_71 = arith.constant 0 : i32
      %cond3A_72 = arith.cmpi ne, %convert_element_type3A_70, %cond3A_71 : i32
      scf.if %cond3A_72 {
        %dma_start3A_79 = arith.constant 0 : i32
        %dma_start3A_80 = arith.constant 0 : i32
        %dma_start3A_81 = tpu.memref_slice %arg2[%dma_start3A_79, %dma_start3A_80] : memref<10000x128xf32, #tpu.memory_space<hbm>> -> memref<10000x128xf32, #tpu.memory_space<hbm>>
        tpu.enqueue_indirect_dma source(%dma_start3A_81 : memref<10000x128xf32, #tpu.memory_space<hbm>>) target(%arg11 : memref<128x128xf32, #tpu.memory_space<vmem>>) offsets(%arg7 : memref<128xi32, #tpu.memory_space<vmem>>) semaphore(%arg14 : memref<!tpu.dma_semaphore, #tpu.memory_space<semaphore_mem>>)
      } else {
      }
      "tpu.region"() ({
        %run_scoped3A = tpu.sem_alloc : memref<!tpu.dma_semaphore, #tpu.memory_space<semaphore_mem>>
        %dma_start3A_79 = arith.constant 0 : i32
        %dma_start3A_80 = arith.constant 0 : i32
        %dma_start3A_81 = tpu.memref_slice %arg13[%dma_start3A_79, %dma_start3A_80] : memref<10008x128xf32, #tpu.memory_space<vmem_shared>> -> memref<10008x128xf32, #tpu.memory_space<vmem_shared>>
        tpu.enqueue_indirect_dma source(%arg12 : memref<128x128xf32, #tpu.memory_space<vmem>>) target(%dma_start3A_81 : memref<10008x128xf32, #tpu.memory_space<vmem_shared>>) offsets(%arg10 : memref<128xi32, #tpu.memory_space<vmem>>) semaphore(%run_scoped3A : memref<!tpu.dma_semaphore, #tpu.memory_space<semaphore_mem>>) {add = true}
        %dma_wait3A_82 = arith.constant 0 : i32
        %dma_wait3A_83 = arith.constant 0 : i32
        %dma_wait3A_84 = tpu.memref_slice %arg13[%dma_wait3A_82, %dma_wait3A_83] : memref<10008x128xf32, #tpu.memory_space<vmem_shared>> -> memref<10008x128xf32, #tpu.memory_space<vmem_shared>>
        tpu.wait_indirect_dma semaphore(%run_scoped3A : memref<!tpu.dma_semaphore, #tpu.memory_space<semaphore_mem>>) src(%arg12 : memref<128x128xf32, #tpu.memory_space<vmem>>) dst(%dma_wait3A_84 : memref<10008x128xf32, #tpu.memory_space<vmem_shared>>)
        tpu.yield
      }) : () -> ()
      %add3A_73 = arith.constant 3 : i32
      %add3A_74 = arith.addi %add3A_54, %add3A_73 : i32
      %lt3A_75 = arith.cmpi slt, %add3A_74, %select_n3A_18 : i32
      %convert_element_type3A_76 = arith.extui %lt3A_75 : i1 to i32
      %cond3A_77 = arith.constant 0 : i32
      %cond3A_78 = arith.cmpi ne, %convert_element_type3A_76, %cond3A_77 : i32
      scf.if %cond3A_78 {
        %add3A_79 = arith.addi %select_n3A, %add3A_54 : i32
        %add3A_80 = arith.constant 3 : i32
        %add3A_81 = arith.addi %add3A_79, %add3A_80 : i32
        %mul3A_82 = arith.constant 128 : i32
        %mul3A_83 = arith.muli %add3A_81, %mul3A_82 : i32
        "tpu.region"() ({
          %run_scoped3A = tpu.sem_alloc : memref<!tpu.dma_semaphore, #tpu.memory_space<semaphore_mem>>
          %dma_start3A_89 = tpu.memref_slice %arg3[%mul3A_83] : memref<327680xi32, #tpu.memory_space<hbm>> -> memref<128xi32, #tpu.memory_space<hbm>>
          %dma_start3A_90 = tpu.memref_slice %arg3[%mul3A_83] : memref<327680xi32, #tpu.memory_space<hbm>> -> memref<128xi32, #tpu.memory_space<hbm>>
          tpu.enqueue_dma source(%dma_start3A_90 : memref<128xi32, #tpu.memory_space<hbm>>) target(%arg9 : memref<128xi32, #tpu.memory_space<vmem>>) target_semaphore(%run_scoped3A : memref<!tpu.dma_semaphore, #tpu.memory_space<semaphore_mem>>)
          %dma_wait3A_91 = tpu.memref_slice %arg3[%mul3A_83] : memref<327680xi32, #tpu.memory_space<hbm>> -> memref<128xi32, #tpu.memory_space<hbm>>
          %dma_wait3A_92 = tpu.memref_slice %arg3[%mul3A_83] : memref<327680xi32, #tpu.memory_space<hbm>> -> memref<128xi32, #tpu.memory_space<hbm>>
          tpu.wait_dma2 semaphore(%run_scoped3A : memref<!tpu.dma_semaphore, #tpu.memory_space<semaphore_mem>>) src(%dma_wait3A_92 : memref<128xi32, #tpu.memory_space<hbm>>) dst(%arg9 : memref<128xi32, #tpu.memory_space<vmem>>)
          tpu.yield
        }) : () -> ()
        %add3A_84 = arith.addi %select_n3A, %add3A_54 : i32
        %add3A_85 = arith.constant 3 : i32
        %add3A_86 = arith.addi %add3A_84, %add3A_85 : i32
        %mul3A_87 = arith.constant 128 : i32
        %mul3A_88 = arith.muli %add3A_86, %mul3A_87 : i32
        "tpu.region"() ({
          %run_scoped3A = tpu.sem_alloc : memref<!tpu.dma_semaphore, #tpu.memory_space<semaphore_mem>>
          %dma_start3A_89 = tpu.memref_slice %arg4[%mul3A_88] : memref<327680xi32, #tpu.memory_space<hbm>> -> memref<128xi32, #tpu.memory_space<hbm>>
          %dma_start3A_90 = tpu.memref_slice %arg4[%mul3A_88] : memref<327680xi32, #tpu.memory_space<hbm>> -> memref<128xi32, #tpu.memory_space<hbm>>
          tpu.enqueue_dma source(%dma_start3A_90 : memref<128xi32, #tpu.memory_space<hbm>>) target(%arg10 : memref<128xi32, #tpu.memory_space<vmem>>) target_semaphore(%run_scoped3A : memref<!tpu.dma_semaphore, #tpu.memory_space<semaphore_mem>>)
          %dma_wait3A_91 = tpu.memref_slice %arg4[%mul3A_88] : memref<327680xi32, #tpu.memory_space<hbm>> -> memref<128xi32, #tpu.memory_space<hbm>>
          %dma_wait3A_92 = tpu.memref_slice %arg4[%mul3A_88] : memref<327680xi32, #tpu.memory_space<hbm>> -> memref<128xi32, #tpu.memory_space<hbm>>
          tpu.wait_dma2 semaphore(%run_scoped3A : memref<!tpu.dma_semaphore, #tpu.memory_space<semaphore_mem>>) src(%dma_wait3A_92 : memref<128xi32, #tpu.memory_space<hbm>>) dst(%arg10 : memref<128xi32, #tpu.memory_space<vmem>>)
          tpu.yield
        }) : () -> ()
      } else {
      }
    }
    %while3A_38 = arith.constant 1 : i32
    scf.for %while3A_52 = %while3A_36 to %while3A_32 step %while3A_38  : i32 {
      %mul3A_53 = arith.muli %while3A_52, %while3A : i32
      %add3A_54 = arith.addi %while3A_29, %mul3A_53 : i32
      %dma_wait3A = arith.constant 0 : i32
      %dma_wait3A_55 = arith.constant 0 : i32
      %dma_wait3A_56 = tpu.memref_slice %arg2[%dma_wait3A, %dma_wait3A_55] : memref<10000x128xf32, #tpu.memory_space<hbm>> -> memref<10000x128xf32, #tpu.memory_space<hbm>>
      tpu.wait_indirect_dma semaphore(%arg14 : memref<!tpu.dma_semaphore, #tpu.memory_space<semaphore_mem>>) src(%dma_wait3A_56 : memref<10000x128xf32, #tpu.memory_space<hbm>>) dst(%arg11 : memref<128x128xf32, #tpu.memory_space<vmem>>)
      %dma_start3A = arith.constant 0 : i32
      %dma_start3A_57 = arith.constant 0 : i32
      %dma_start3A_58 = tpu.memref_slice %arg2[%dma_start3A, %dma_start3A_57] : memref<10000x128xf32, #tpu.memory_space<hbm>> -> memref<10000x128xf32, #tpu.memory_space<hbm>>
      tpu.enqueue_indirect_dma source(%dma_start3A_58 : memref<10000x128xf32, #tpu.memory_space<hbm>>) target(%arg12 : memref<128x128xf32, #tpu.memory_space<vmem>>) offsets(%arg9 : memref<128xi32, #tpu.memory_space<vmem>>) semaphore(%arg15 : memref<!tpu.dma_semaphore, #tpu.memory_space<semaphore_mem>>)
      "tpu.region"() ({
        %run_scoped3A = tpu.sem_alloc : memref<!tpu.dma_semaphore, #tpu.memory_space<semaphore_mem>>
        %dma_start3A_79 = arith.constant 0 : i32
        %dma_start3A_80 = arith.constant 0 : i32
        %dma_start3A_81 = tpu.memref_slice %arg13[%dma_start3A_79, %dma_start3A_80] : memref<10008x128xf32, #tpu.memory_space<vmem_shared>> -> memref<10008x128xf32, #tpu.memory_space<vmem_shared>>
        tpu.enqueue_indirect_dma source(%arg11 : memref<128x128xf32, #tpu.memory_space<vmem>>) target(%dma_start3A_81 : memref<10008x128xf32, #tpu.memory_space<vmem_shared>>) offsets(%arg8 : memref<128xi32, #tpu.memory_space<vmem>>) semaphore(%run_scoped3A : memref<!tpu.dma_semaphore, #tpu.memory_space<semaphore_mem>>) {add = true}
        %dma_wait3A_82 = arith.constant 0 : i32
        %dma_wait3A_83 = arith.constant 0 : i32
        %dma_wait3A_84 = tpu.memref_slice %arg13[%dma_wait3A_82, %dma_wait3A_83] : memref<10008x128xf32, #tpu.memory_space<vmem_shared>> -> memref<10008x128xf32, #tpu.memory_space<vmem_shared>>
        tpu.wait_indirect_dma semaphore(%run_scoped3A : memref<!tpu.dma_semaphore, #tpu.memory_space<semaphore_mem>>) src(%arg11 : memref<128x128xf32, #tpu.memory_space<vmem>>) dst(%dma_wait3A_84 : memref<10008x128xf32, #tpu.memory_space<vmem_shared>>)
        tpu.yield
      }) : () -> ()
      %add3A_59 = arith.constant 2 : i32
      %add3A_60 = arith.addi %add3A_54, %add3A_59 : i32
      %lt3A = arith.cmpi slt, %add3A_60, %select_n3A_18 : i32
      %convert_element_type3A_61 = arith.extui %lt3A : i1 to i32
      %cond3A_62 = arith.constant 0 : i32
      %cond3A_63 = arith.cmpi ne, %convert_element_type3A_61, %cond3A_62 : i32
      scf.if %cond3A_63 {
        %add3A_79 = arith.addi %select_n3A, %add3A_54 : i32
        %add3A_80 = arith.constant 2 : i32
        %add3A_81 = arith.addi %add3A_79, %add3A_80 : i32
        %mul3A_82 = arith.constant 128 : i32
        %mul3A_83 = arith.muli %add3A_81, %mul3A_82 : i32
        "tpu.region"() ({
          %run_scoped3A = tpu.sem_alloc : memref<!tpu.dma_semaphore, #tpu.memory_space<semaphore_mem>>
          %dma_start3A_89 = tpu.memref_slice %arg3[%mul3A_83] : memref<327680xi32, #tpu.memory_space<hbm>> -> memref<128xi32, #tpu.memory_space<hbm>>
          %dma_start3A_90 = tpu.memref_slice %arg3[%mul3A_83] : memref<327680xi32, #tpu.memory_space<hbm>> -> memref<128xi32, #tpu.memory_space<hbm>>
          tpu.enqueue_dma source(%dma_start3A_90 : memref<128xi32, #tpu.memory_space<hbm>>) target(%arg7 : memref<128xi32, #tpu.memory_space<vmem>>) target_semaphore(%run_scoped3A : memref<!tpu.dma_semaphore, #tpu.memory_space<semaphore_mem>>)
          %dma_wait3A_91 = tpu.memref_slice %arg3[%mul3A_83] : memref<327680xi32, #tpu.memory_space<hbm>> -> memref<128xi32, #tpu.memory_space<hbm>>
          %dma_wait3A_92 = tpu.memref_slice %arg3[%mul3A_83] : memref<327680xi32, #tpu.memory_space<hbm>> -> memref<128xi32, #tpu.memory_space<hbm>>
          tpu.wait_dma2 semaphore(%run_scoped3A : memref<!tpu.dma_semaphore, #tpu.memory_space<semaphore_mem>>) src(%dma_wait3A_92 : memref<128xi32, #tpu.memory_space<hbm>>) dst(%arg7 : memref<128xi32, #tpu.memory_space<vmem>>)
          tpu.yield
        }) : () -> ()
        %add3A_84 = arith.addi %select_n3A, %add3A_54 : i32
        %add3A_85 = arith.constant 2 : i32
        %add3A_86 = arith.addi %add3A_84, %add3A_85 : i32
        %mul3A_87 = arith.constant 128 : i32
        %mul3A_88 = arith.muli %add3A_86, %mul3A_87 : i32
        "tpu.region"() ({
          %run_scoped3A = tpu.sem_alloc : memref<!tpu.dma_semaphore, #tpu.memory_space<semaphore_mem>>
          %dma_start3A_89 = tpu.memref_slice %arg4[%mul3A_88] : memref<327680xi32, #tpu.memory_space<hbm>> -> memref<128xi32, #tpu.memory_space<hbm>>
          %dma_start3A_90 = tpu.memref_slice %arg4[%mul3A_88] : memref<327680xi32, #tpu.memory_space<hbm>> -> memref<128xi32, #tpu.memory_space<hbm>>
          tpu.enqueue_dma source(%dma_start3A_90 : memref<128xi32, #tpu.memory_space<hbm>>) target(%arg8 : memref<128xi32, #tpu.memory_space<vmem>>) target_semaphore(%run_scoped3A : memref<!tpu.dma_semaphore, #tpu.memory_space<semaphore_mem>>)
          %dma_wait3A_91 = tpu.memref_slice %arg4[%mul3A_88] : memref<327680xi32, #tpu.memory_space<hbm>> -> memref<128xi32, #tpu.memory_space<hbm>>
          %dma_wait3A_92 = tpu.memref_slice %arg4[%mul3A_88] : memref<327680xi32, #tpu.memory_space<hbm>> -> memref<128xi32, #tpu.memory_space<hbm>>
          tpu.wait_dma2 semaphore(%run_scoped3A : memref<!tpu.dma_semaphore, #tpu.memory_space<semaphore_mem>>) src(%dma_wait3A_92 : memref<128xi32, #tpu.memory_space<hbm>>) dst(%arg8 : memref<128xi32, #tpu.memory_space<vmem>>)
          tpu.yield
        }) : () -> ()
      } else {
      }
      %dma_wait3A_64 = arith.constant 0 : i32
      %dma_wait3A_65 = arith.constant 0 : i32
      %dma_wait3A_66 = tpu.memref_slice %arg2[%dma_wait3A_64, %dma_wait3A_65] : memref<10000x128xf32, #tpu.memory_space<hbm>> -> memref<10000x128xf32, #tpu.memory_space<hbm>>
      tpu.wait_indirect_dma semaphore(%arg15 : memref<!tpu.dma_semaphore, #tpu.memory_space<semaphore_mem>>) src(%dma_wait3A_66 : memref<10000x128xf32, #tpu.memory_space<hbm>>) dst(%arg12 : memref<128x128xf32, #tpu.memory_space<vmem>>)
      %add3A_67 = arith.constant 2 : i32
      %add3A_68 = arith.addi %add3A_54, %add3A_67 : i32
      %lt3A_69 = arith.cmpi slt, %add3A_68, %select_n3A_18 : i32
      %convert_element_type3A_70 = arith.extui %lt3A_69 : i1 to i32
      %cond3A_71 = arith.constant 0 : i32
      %cond3A_72 = arith.cmpi ne, %convert_element_type3A_70, %cond3A_71 : i32
      scf.if %cond3A_72 {
        %dma_start3A_79 = arith.constant 0 : i32
        %dma_start3A_80 = arith.constant 0 : i32
        %dma_start3A_81 = tpu.memref_slice %arg2[%dma_start3A_79, %dma_start3A_80] : memref<10000x128xf32, #tpu.memory_space<hbm>> -> memref<10000x128xf32, #tpu.memory_space<hbm>>
        tpu.enqueue_indirect_dma source(%dma_start3A_81 : memref<10000x128xf32, #tpu.memory_space<hbm>>) target(%arg11 : memref<128x128xf32, #tpu.memory_space<vmem>>) offsets(%arg7 : memref<128xi32, #tpu.memory_space<vmem>>) semaphore(%arg14 : memref<!tpu.dma_semaphore, #tpu.memory_space<semaphore_mem>>)
      } else {
      }
      "tpu.region"() ({
        %run_scoped3A = tpu.sem_alloc : memref<!tpu.dma_semaphore, #tpu.memory_space<semaphore_mem>>
        %dma_start3A_79 = arith.constant 0 : i32
        %dma_start3A_80 = arith.constant 0 : i32
        %dma_start3A_81 = tpu.memref_slice %arg13[%dma_start3A_79, %dma_start3A_80] : memref<10008x128xf32, #tpu.memory_space<vmem_shared>> -> memref<10008x128xf32, #tpu.memory_space<vmem_shared>>
        tpu.enqueue_indirect_dma source(%arg12 : memref<128x128xf32, #tpu.memory_space<vmem>>) target(%dma_start3A_81 : memref<10008x128xf32, #tpu.memory_space<vmem_shared>>) offsets(%arg10 : memref<128xi32, #tpu.memory_space<vmem>>) semaphore(%run_scoped3A : memref<!tpu.dma_semaphore, #tpu.memory_space<semaphore_mem>>) {add = true}
        %dma_wait3A_82 = arith.constant 0 : i32
        %dma_wait3A_83 = arith.constant 0 : i32
        %dma_wait3A_84 = tpu.memref_slice %arg13[%dma_wait3A_82, %dma_wait3A_83] : memref<10008x128xf32, #tpu.memory_space<vmem_shared>> -> memref<10008x128xf32, #tpu.memory_space<vmem_shared>>
        tpu.wait_indirect_dma semaphore(%run_scoped3A : memref<!tpu.dma_semaphore, #tpu.memory_space<semaphore_mem>>) src(%arg12 : memref<128x128xf32, #tpu.memory_space<vmem>>) dst(%dma_wait3A_84 : memref<10008x128xf32, #tpu.memory_space<vmem_shared>>)
        tpu.yield
      }) : () -> ()
      %add3A_73 = arith.constant 3 : i32
      %add3A_74 = arith.addi %add3A_54, %add3A_73 : i32
      %lt3A_75 = arith.cmpi slt, %add3A_74, %select_n3A_18 : i32
      %convert_element_type3A_76 = arith.extui %lt3A_75 : i1 to i32
      %cond3A_77 = arith.constant 0 : i32
      %cond3A_78 = arith.cmpi ne, %convert_element_type3A_76, %cond3A_77 : i32
      scf.if %cond3A_78 {
        %add3A_79 = arith.addi %select_n3A, %add3A_54 : i32
        %add3A_80 = arith.constant 3 : i32
        %add3A_81 = arith.addi %add3A_79, %add3A_80 : i32
        %mul3A_82 = arith.constant 128 : i32
        %mul3A_83 = arith.muli %add3A_81, %mul3A_82 : i32
        "tpu.region"() ({
          %run_scoped3A = tpu.sem_alloc : memref<!tpu.dma_semaphore, #tpu.memory_space<semaphore_mem>>
          %dma_start3A_89 = tpu.memref_slice %arg3[%mul3A_83] : memref<327680xi32, #tpu.memory_space<hbm>> -> memref<128xi32, #tpu.memory_space<hbm>>
          %dma_start3A_90 = tpu.memref_slice %arg3[%mul3A_83] : memref<327680xi32, #tpu.memory_space<hbm>> -> memref<128xi32, #tpu.memory_space<hbm>>
          tpu.enqueue_dma source(%dma_start3A_90 : memref<128xi32, #tpu.memory_space<hbm>>) target(%arg9 : memref<128xi32, #tpu.memory_space<vmem>>) target_semaphore(%run_scoped3A : memref<!tpu.dma_semaphore, #tpu.memory_space<semaphore_mem>>)
          %dma_wait3A_91 = tpu.memref_slice %arg3[%mul3A_83] : memref<327680xi32, #tpu.memory_space<hbm>> -> memref<128xi32, #tpu.memory_space<hbm>>
          %dma_wait3A_92 = tpu.memref_slice %arg3[%mul3A_83] : memref<327680xi32, #tpu.memory_space<hbm>> -> memref<128xi32, #tpu.memory_space<hbm>>
          tpu.wait_dma2 semaphore(%run_scoped3A : memref<!tpu.dma_semaphore, #tpu.memory_space<semaphore_mem>>) src(%dma_wait3A_92 : memref<128xi32, #tpu.memory_space<hbm>>) dst(%arg9 : memref<128xi32, #tpu.memory_space<vmem>>)
          tpu.yield
        }) : () -> ()
        %add3A_84 = arith.addi %select_n3A, %add3A_54 : i32
        %add3A_85 = arith.constant 3 : i32
        %add3A_86 = arith.addi %add3A_84, %add3A_85 : i32
        %mul3A_87 = arith.constant 128 : i32
        %mul3A_88 = arith.muli %add3A_86, %mul3A_87 : i32
        "tpu.region"() ({
          %run_scoped3A = tpu.sem_alloc : memref<!tpu.dma_semaphore, #tpu.memory_space<semaphore_mem>>
          %dma_start3A_89 = tpu.memref_slice %arg4[%mul3A_88] : memref<327680xi32, #tpu.memory_space<hbm>> -> memref<128xi32, #tpu.memory_space<hbm>>
          %dma_start3A_90 = tpu.memref_slice %arg4[%mul3A_88] : memref<327680xi32, #tpu.memory_space<hbm>> -> memref<128xi32, #tpu.memory_space<hbm>>
          tpu.enqueue_dma source(%dma_start3A_90 : memref<128xi32, #tpu.memory_space<hbm>>) target(%arg10 : memref<128xi32, #tpu.memory_space<vmem>>) target_semaphore(%run_scoped3A : memref<!tpu.dma_semaphore, #tpu.memory_space<semaphore_mem>>)
          %dma_wait3A_91 = tpu.memref_slice %arg4[%mul3A_88] : memref<327680xi32, #tpu.memory_space<hbm>> -> memref<128xi32, #tpu.memory_space<hbm>>
          %dma_wait3A_92 = tpu.memref_slice %arg4[%mul3A_88] : memref<327680xi32, #tpu.memory_space<hbm>> -> memref<128xi32, #tpu.memory_space<hbm>>
          tpu.wait_dma2 semaphore(%run_scoped3A : memref<!tpu.dma_semaphore, #tpu.memory_space<semaphore_mem>>) src(%dma_wait3A_92 : memref<128xi32, #tpu.memory_space<hbm>>) dst(%arg10 : memref<128xi32, #tpu.memory_space<vmem>>)
          tpu.yield
        }) : () -> ()
      } else {
      }
    }
    %barrier3A_39 = arith.constant 0 : index
    tpu.barrier barrier_id(%barrier3A_39)
    %mul3A_40 = arith.constant 624 : i32
    %mul3A_41 = arith.muli %arg1, %mul3A_40 : i32
    %mul3A_42 = arith.constant 10000 : i32
    %mul3A_43 = arith.muli %arg0, %mul3A_42 : i32
    %mul3A_44 = arith.constant 624 : i32
    %mul3A_45 = arith.muli %arg1, %mul3A_44 : i32
    %add3A_46 = arith.addi %mul3A_43, %mul3A_45 : i32
    "tpu.region"() ({
      %run_scoped3A = tpu.sem_alloc : memref<!tpu.dma_semaphore, #tpu.memory_space<semaphore_mem>>
      %dma_start3A = arith.constant 0 : i32
      %dma_start3A_52 = tpu.memref_slice %arg6[%add3A_46, %dma_start3A] : memref<20000x128xf32, #tpu.memory_space<hbm>> -> memref<624x128xf32, #tpu.memory_space<hbm>>
      %dma_start3A_53 = arith.constant 0 : i32
      %dma_start3A_54 = tpu.memref_slice %arg13[%mul3A_41, %dma_start3A_53] : memref<10008x128xf32, #tpu.memory_space<vmem_shared>> -> memref<624x128xf32, #tpu.memory_space<vmem_shared>>
      tpu.enqueue_dma source(%dma_start3A_54 : memref<624x128xf32, #tpu.memory_space<vmem_shared>>) target(%dma_start3A_52 : memref<624x128xf32, #tpu.memory_space<hbm>>) target_semaphore(%run_scoped3A : memref<!tpu.dma_semaphore, #tpu.memory_space<semaphore_mem>>)
      %dma_wait3A = arith.constant 0 : i32
      %dma_wait3A_55 = tpu.memref_slice %arg6[%add3A_46, %dma_wait3A] : memref<20000x128xf32, #tpu.memory_space<hbm>> -> memref<624x128xf32, #tpu.memory_space<hbm>>
      %dma_wait3A_56 = arith.constant 0 : i32
      %dma_wait3A_57 = tpu.memref_slice %arg13[%mul3A_41, %dma_wait3A_56] : memref<10008x128xf32, #tpu.memory_space<vmem_shared>> -> memref<624x128xf32, #tpu.memory_space<vmem_shared>>
      tpu.wait_dma2 semaphore(%run_scoped3A : memref<!tpu.dma_semaphore, #tpu.memory_space<semaphore_mem>>) src(%dma_wait3A_57 : memref<624x128xf32, #tpu.memory_space<vmem_shared>>) dst(%dma_wait3A_55 : memref<624x128xf32, #tpu.memory_space<hbm>>)
      tpu.yield
    }) : () -> ()
    %eq3A_47 = arith.constant 15 : i32
    %eq3A_48 = arith.cmpi eq, %arg1, %eq3A_47 : i32
    %convert_element_type3A_49 = arith.extui %eq3A_48 : i1 to i32
    %cond3A_50 = arith.constant 0 : i32
    %cond3A_51 = arith.cmpi ne, %convert_element_type3A_49, %cond3A_50 : i32
    scf.if %cond3A_51 {
      %mul3A_52 = arith.constant 10000 : i32
      %mul3A_53 = arith.muli %arg0, %mul3A_52 : i32
      %add3A_54 = arith.constant 9984 : i32
      %add3A_55 = arith.addi %mul3A_53, %add3A_54 : i32
      "tpu.region"() ({
        %run_scoped3A = tpu.sem_alloc : memref<!tpu.dma_semaphore, #tpu.memory_space<semaphore_mem>>
        %dma_start3A = arith.constant 0 : i32
        %dma_start3A_56 = tpu.memref_slice %arg6[%add3A_55, %dma_start3A] : memref<20000x128xf32, #tpu.memory_space<hbm>> -> memref<16x128xf32, #tpu.memory_space<hbm>>
        %dma_start3A_57 = arith.constant 9984 : i32
        %dma_start3A_58 = arith.constant 0 : i32
        %dma_start3A_59 = tpu.memref_slice %arg13[%dma_start3A_57, %dma_start3A_58] : memref<10008x128xf32, #tpu.memory_space<vmem_shared>> -> memref<16x128xf32, #tpu.memory_space<vmem_shared>>
        tpu.enqueue_dma source(%dma_start3A_59 : memref<16x128xf32, #tpu.memory_space<vmem_shared>>) target(%dma_start3A_56 : memref<16x128xf32, #tpu.memory_space<hbm>>) target_semaphore(%run_scoped3A : memref<!tpu.dma_semaphore, #tpu.memory_space<semaphore_mem>>)
        %dma_wait3A = arith.constant 0 : i32
        %dma_wait3A_60 = tpu.memref_slice %arg6[%add3A_55, %dma_wait3A] : memref<20000x128xf32, #tpu.memory_space<hbm>> -> memref<16x128xf32, #tpu.memory_space<hbm>>
        %dma_wait3A_61 = arith.constant 9984 : i32
        %dma_wait3A_62 = arith.constant 0 : i32
        %dma_wait3A_63 = tpu.memref_slice %arg13[%dma_wait3A_61, %dma_wait3A_62] : memref<10008x128xf32, #tpu.memory_space<vmem_shared>> -> memref<16x128xf32, #tpu.memory_space<vmem_shared>>
        tpu.wait_dma2 semaphore(%run_scoped3A : memref<!tpu.dma_semaphore, #tpu.memory_space<semaphore_mem>>) src(%dma_wait3A_63 : memref<16x128xf32, #tpu.memory_space<vmem_shared>>) dst(%dma_wait3A_60 : memref<16x128xf32, #tpu.memory_space<hbm>>)
        tpu.yield
      }) : () -> ()
    } else {
    }
    return
  }
}

#map = affine_map<(d0, d1) -> (0)>
#map1 = affine_map<(d0, d1) -> (0, 0)>
module attributes {stable_mosaic.version = 14 : i64} {
  func.func @_deg_kernel(%arg0: i32, %arg1: i32, %arg2: memref<327680xi32, #tpu.memory_space<hbm>>, %arg3: memref<10000x128xf32, #tpu.memory_space<hbm>>, %arg4: memref<128x128xf32, #tpu.memory_space<hbm>>, %arg5: memref<20000x128xf32, #tpu.memory_space<hbm>>, %arg6: memref<128xi32, #tpu.memory_space<vmem>>, %arg7: memref<128x128xf32, #tpu.memory_space<vmem>>, %arg8: memref<10008x128xf32, #tpu.memory_space<vmem_shared>>) attributes {dimension_semantics = [#tpu.dimension_semantics<core_parallel>, #tpu.dimension_semantics<subcore_parallel>], iteration_bounds = array<i64: 2, 16>, scalar_prefetch = 0 : i64, scratch_operands = 3 : i64, tpu.core_type = #tpu.core_type<sc_vector_subcore>, window_params = [{transform_indices = #map}, {transform_indices = #map1}, {transform_indices = #map1}, {transform_indices = #map1}]} {
    %mul3A = arith.constant 16 : i32
    %mul3A_0 = arith.muli %arg0, %mul3A : i32
    %add3A = arith.addi %mul3A_0, %arg1 : i32
    "tpu.region"() ({
      %run_scoped3A = tpu.sem_alloc : memref<!tpu.dma_semaphore, #tpu.memory_space<semaphore_mem>>
      tpu.enqueue_dma source(%arg4 : memref<128x128xf32, #tpu.memory_space<hbm>>) target(%arg7 : memref<128x128xf32, #tpu.memory_space<vmem>>) target_semaphore(%run_scoped3A : memref<!tpu.dma_semaphore, #tpu.memory_space<semaphore_mem>>)
      tpu.wait_dma2 semaphore(%run_scoped3A : memref<!tpu.dma_semaphore, #tpu.memory_space<semaphore_mem>>) src(%arg4 : memref<128x128xf32, #tpu.memory_space<hbm>>) dst(%arg7 : memref<128x128xf32, #tpu.memory_space<vmem>>)
      tpu.yield
    }) : () -> ()
    %mul3A_1 = arith.constant 624 : i32
    %mul3A_2 = arith.muli %arg1, %mul3A_1 : i32
    %mul3A_3 = arith.constant 624 : i32
    %mul3A_4 = arith.muli %arg1, %mul3A_3 : i32
    "tpu.region"() ({
      %run_scoped3A = tpu.sem_alloc : memref<!tpu.dma_semaphore, #tpu.memory_space<semaphore_mem>>
      %dma_start3A = arith.constant 0 : i32
      %dma_start3A_24 = tpu.memref_slice %arg8[%mul3A_4, %dma_start3A] : memref<10008x128xf32, #tpu.memory_space<vmem_shared>> -> memref<624x128xf32, #tpu.memory_space<vmem_shared>>
      %dma_start3A_25 = arith.constant 0 : i32
      %dma_start3A_26 = tpu.memref_slice %arg3[%mul3A_2, %dma_start3A_25] : memref<10000x128xf32, #tpu.memory_space<hbm>> -> memref<624x128xf32, #tpu.memory_space<hbm>>
      tpu.enqueue_dma source(%dma_start3A_26 : memref<624x128xf32, #tpu.memory_space<hbm>>) target(%dma_start3A_24 : memref<624x128xf32, #tpu.memory_space<vmem_shared>>) target_semaphore(%run_scoped3A : memref<!tpu.dma_semaphore, #tpu.memory_space<semaphore_mem>>)
      %dma_wait3A = arith.constant 0 : i32
      %dma_wait3A_27 = tpu.memref_slice %arg8[%mul3A_4, %dma_wait3A] : memref<10008x128xf32, #tpu.memory_space<vmem_shared>> -> memref<624x128xf32, #tpu.memory_space<vmem_shared>>
      %dma_wait3A_28 = arith.constant 0 : i32
      %dma_wait3A_29 = tpu.memref_slice %arg3[%mul3A_2, %dma_wait3A_28] : memref<10000x128xf32, #tpu.memory_space<hbm>> -> memref<624x128xf32, #tpu.memory_space<hbm>>
      tpu.wait_dma2 semaphore(%run_scoped3A : memref<!tpu.dma_semaphore, #tpu.memory_space<semaphore_mem>>) src(%dma_wait3A_29 : memref<624x128xf32, #tpu.memory_space<hbm>>) dst(%dma_wait3A_27 : memref<624x128xf32, #tpu.memory_space<vmem_shared>>)
      tpu.yield
    }) : () -> ()
    %eq3A = arith.constant 15 : i32
    %eq3A_5 = arith.cmpi eq, %arg1, %eq3A : i32
    %convert_element_type3A = arith.extui %eq3A_5 : i1 to i32
    %cond3A = arith.constant 0 : i32
    %cond3A_6 = arith.cmpi ne, %convert_element_type3A, %cond3A : i32
    scf.if %cond3A_6 {
      "tpu.region"() ({
        %run_scoped3A = tpu.sem_alloc : memref<!tpu.dma_semaphore, #tpu.memory_space<semaphore_mem>>
        %dma_start3A = arith.constant 9984 : i32
        %dma_start3A_24 = arith.constant 0 : i32
        %dma_start3A_25 = tpu.memref_slice %arg8[%dma_start3A, %dma_start3A_24] : memref<10008x128xf32, #tpu.memory_space<vmem_shared>> -> memref<16x128xf32, #tpu.memory_space<vmem_shared>>
        %dma_start3A_26 = arith.constant 9984 : i32
        %dma_start3A_27 = arith.constant 0 : i32
        %dma_start3A_28 = tpu.memref_slice %arg3[%dma_start3A_26, %dma_start3A_27] : memref<10000x128xf32, #tpu.memory_space<hbm>> -> memref<16x128xf32, #tpu.memory_space<hbm>>
        tpu.enqueue_dma source(%dma_start3A_28 : memref<16x128xf32, #tpu.memory_space<hbm>>) target(%dma_start3A_25 : memref<16x128xf32, #tpu.memory_space<vmem_shared>>) target_semaphore(%run_scoped3A : memref<!tpu.dma_semaphore, #tpu.memory_space<semaphore_mem>>)
        %dma_wait3A = arith.constant 9984 : i32
        %dma_wait3A_29 = arith.constant 0 : i32
        %dma_wait3A_30 = tpu.memref_slice %arg8[%dma_wait3A, %dma_wait3A_29] : memref<10008x128xf32, #tpu.memory_space<vmem_shared>> -> memref<16x128xf32, #tpu.memory_space<vmem_shared>>
        %dma_wait3A_31 = arith.constant 9984 : i32
        %dma_wait3A_32 = arith.constant 0 : i32
        %dma_wait3A_33 = tpu.memref_slice %arg3[%dma_wait3A_31, %dma_wait3A_32] : memref<10000x128xf32, #tpu.memory_space<hbm>> -> memref<16x128xf32, #tpu.memory_space<hbm>>
        tpu.wait_dma2 semaphore(%run_scoped3A : memref<!tpu.dma_semaphore, #tpu.memory_space<semaphore_mem>>) src(%dma_wait3A_33 : memref<16x128xf32, #tpu.memory_space<hbm>>) dst(%dma_wait3A_30 : memref<16x128xf32, #tpu.memory_space<vmem_shared>>)
        tpu.yield
      }) : () -> ()
    } else {
    }
    %barrier3A = arith.constant 0 : index
    tpu.barrier barrier_id(%barrier3A)
    %scan3A = arith.constant 0 : i32
    %scan3A_7 = arith.constant 80 : i32
    %scan3A_8 = arith.addi %scan3A, %scan3A_7 : i32
    %scan3A_9 = arith.constant 1 : i32
    scf.for %scan3A_24 = %scan3A to %scan3A_8 step %scan3A_9  : i32 {
      %mul3A_25 = arith.constant 1 : i32
      %mul3A_26 = arith.muli %scan3A_24, %mul3A_25 : i32
      %add3A_27 = arith.constant 0 : i32
      %add3A_28 = arith.addi %add3A_27, %mul3A_26 : i32
      %mul3A_29 = arith.constant 80 : i32
      %mul3A_30 = arith.muli %add3A, %mul3A_29 : i32
      %add3A_31 = arith.addi %mul3A_30, %add3A_28 : i32
      %mul3A_32 = arith.constant 128 : i32
      %mul3A_33 = arith.muli %add3A_31, %mul3A_32 : i32
      "tpu.region"() ({
        %run_scoped3A = tpu.sem_alloc : memref<!tpu.dma_semaphore, #tpu.memory_space<semaphore_mem>>
        %dma_start3A = tpu.memref_slice %arg2[%mul3A_33] : memref<327680xi32, #tpu.memory_space<hbm>> -> memref<128xi32, #tpu.memory_space<hbm>>
        %dma_start3A_34 = tpu.memref_slice %arg2[%mul3A_33] : memref<327680xi32, #tpu.memory_space<hbm>> -> memref<128xi32, #tpu.memory_space<hbm>>
        tpu.enqueue_dma source(%dma_start3A_34 : memref<128xi32, #tpu.memory_space<hbm>>) target(%arg6 : memref<128xi32, #tpu.memory_space<vmem>>) target_semaphore(%run_scoped3A : memref<!tpu.dma_semaphore, #tpu.memory_space<semaphore_mem>>)
        %dma_wait3A = tpu.memref_slice %arg2[%mul3A_33] : memref<327680xi32, #tpu.memory_space<hbm>> -> memref<128xi32, #tpu.memory_space<hbm>>
        %dma_wait3A_35 = tpu.memref_slice %arg2[%mul3A_33] : memref<327680xi32, #tpu.memory_space<hbm>> -> memref<128xi32, #tpu.memory_space<hbm>>
        tpu.wait_dma2 semaphore(%run_scoped3A : memref<!tpu.dma_semaphore, #tpu.memory_space<semaphore_mem>>) src(%dma_wait3A_35 : memref<128xi32, #tpu.memory_space<hbm>>) dst(%arg6 : memref<128xi32, #tpu.memory_space<vmem>>)
        tpu.yield
      }) : () -> ()
      "tpu.region"() ({
        %run_scoped3A = tpu.sem_alloc : memref<!tpu.dma_semaphore, #tpu.memory_space<semaphore_mem>>
        %dma_start3A = arith.constant 0 : i32
        %dma_start3A_34 = arith.constant 0 : i32
        %dma_start3A_35 = tpu.memref_slice %arg8[%dma_start3A, %dma_start3A_34] : memref<10008x128xf32, #tpu.memory_space<vmem_shared>> -> memref<10008x128xf32, #tpu.memory_space<vmem_shared>>
        tpu.enqueue_indirect_dma source(%arg7 : memref<128x128xf32, #tpu.memory_space<vmem>>) target(%dma_start3A_35 : memref<10008x128xf32, #tpu.memory_space<vmem_shared>>) offsets(%arg6 : memref<128xi32, #tpu.memory_space<vmem>>) semaphore(%run_scoped3A : memref<!tpu.dma_semaphore, #tpu.memory_space<semaphore_mem>>) {add = true}
        %dma_wait3A = arith.constant 0 : i32
        %dma_wait3A_36 = arith.constant 0 : i32
        %dma_wait3A_37 = tpu.memref_slice %arg8[%dma_wait3A, %dma_wait3A_36] : memref<10008x128xf32, #tpu.memory_space<vmem_shared>> -> memref<10008x128xf32, #tpu.memory_space<vmem_shared>>
        tpu.wait_indirect_dma semaphore(%run_scoped3A : memref<!tpu.dma_semaphore, #tpu.memory_space<semaphore_mem>>) src(%arg7 : memref<128x128xf32, #tpu.memory_space<vmem>>) dst(%dma_wait3A_37 : memref<10008x128xf32, #tpu.memory_space<vmem_shared>>)
        tpu.yield
      }) : () -> ()
    }
    %scan3A_10 = arith.constant 80 : i32
    %barrier3A_11 = arith.constant 0 : index
    tpu.barrier barrier_id(%barrier3A_11)
    %mul3A_12 = arith.constant 624 : i32
    %mul3A_13 = arith.muli %arg1, %mul3A_12 : i32
    %mul3A_14 = arith.constant 10000 : i32
    %mul3A_15 = arith.muli %arg0, %mul3A_14 : i32
    %mul3A_16 = arith.constant 624 : i32
    %mul3A_17 = arith.muli %arg1, %mul3A_16 : i32
    %add3A_18 = arith.addi %mul3A_15, %mul3A_17 : i32
    "tpu.region"() ({
      %run_scoped3A = tpu.sem_alloc : memref<!tpu.dma_semaphore, #tpu.memory_space<semaphore_mem>>
      %dma_start3A = arith.constant 0 : i32
      %dma_start3A_24 = tpu.memref_slice %arg5[%add3A_18, %dma_start3A] : memref<20000x128xf32, #tpu.memory_space<hbm>> -> memref<624x128xf32, #tpu.memory_space<hbm>>
      %dma_start3A_25 = arith.constant 0 : i32
      %dma_start3A_26 = tpu.memref_slice %arg8[%mul3A_13, %dma_start3A_25] : memref<10008x128xf32, #tpu.memory_space<vmem_shared>> -> memref<624x128xf32, #tpu.memory_space<vmem_shared>>
      tpu.enqueue_dma source(%dma_start3A_26 : memref<624x128xf32, #tpu.memory_space<vmem_shared>>) target(%dma_start3A_24 : memref<624x128xf32, #tpu.memory_space<hbm>>) target_semaphore(%run_scoped3A : memref<!tpu.dma_semaphore, #tpu.memory_space<semaphore_mem>>)
      %dma_wait3A = arith.constant 0 : i32
      %dma_wait3A_27 = tpu.memref_slice %arg5[%add3A_18, %dma_wait3A] : memref<20000x128xf32, #tpu.memory_space<hbm>> -> memref<624x128xf32, #tpu.memory_space<hbm>>
      %dma_wait3A_28 = arith.constant 0 : i32
      %dma_wait3A_29 = tpu.memref_slice %arg8[%mul3A_13, %dma_wait3A_28] : memref<10008x128xf32, #tpu.memory_space<vmem_shared>> -> memref<624x128xf32, #tpu.memory_space<vmem_shared>>
      tpu.wait_dma2 semaphore(%run_scoped3A : memref<!tpu.dma_semaphore, #tpu.memory_space<semaphore_mem>>) src(%dma_wait3A_29 : memref<624x128xf32, #tpu.memory_space<vmem_shared>>) dst(%dma_wait3A_27 : memref<624x128xf32, #tpu.memory_space<hbm>>)
      tpu.yield
    }) : () -> ()
    %eq3A_19 = arith.constant 15 : i32
    %eq3A_20 = arith.cmpi eq, %arg1, %eq3A_19 : i32
    %convert_element_type3A_21 = arith.extui %eq3A_20 : i1 to i32
    %cond3A_22 = arith.constant 0 : i32
    %cond3A_23 = arith.cmpi ne, %convert_element_type3A_21, %cond3A_22 : i32
    scf.if %cond3A_23 {
      %mul3A_24 = arith.constant 10000 : i32
      %mul3A_25 = arith.muli %arg0, %mul3A_24 : i32
      %add3A_26 = arith.constant 9984 : i32
      %add3A_27 = arith.addi %mul3A_25, %add3A_26 : i32
      "tpu.region"() ({
        %run_scoped3A = tpu.sem_alloc : memref<!tpu.dma_semaphore, #tpu.memory_space<semaphore_mem>>
        %dma_start3A = arith.constant 0 : i32
        %dma_start3A_28 = tpu.memref_slice %arg5[%add3A_27, %dma_start3A] : memref<20000x128xf32, #tpu.memory_space<hbm>> -> memref<16x128xf32, #tpu.memory_space<hbm>>
        %dma_start3A_29 = arith.constant 9984 : i32
        %dma_start3A_30 = arith.constant 0 : i32
        %dma_start3A_31 = tpu.memref_slice %arg8[%dma_start3A_29, %dma_start3A_30] : memref<10008x128xf32, #tpu.memory_space<vmem_shared>> -> memref<16x128xf32, #tpu.memory_space<vmem_shared>>
        tpu.enqueue_dma source(%dma_start3A_31 : memref<16x128xf32, #tpu.memory_space<vmem_shared>>) target(%dma_start3A_28 : memref<16x128xf32, #tpu.memory_space<hbm>>) target_semaphore(%run_scoped3A : memref<!tpu.dma_semaphore, #tpu.memory_space<semaphore_mem>>)
        %dma_wait3A = arith.constant 0 : i32
        %dma_wait3A_32 = tpu.memref_slice %arg5[%add3A_27, %dma_wait3A] : memref<20000x128xf32, #tpu.memory_space<hbm>> -> memref<16x128xf32, #tpu.memory_space<hbm>>
        %dma_wait3A_33 = arith.constant 9984 : i32
        %dma_wait3A_34 = arith.constant 0 : i32
        %dma_wait3A_35 = tpu.memref_slice %arg8[%dma_wait3A_33, %dma_wait3A_34] : memref<10008x128xf32, #tpu.memory_space<vmem_shared>> -> memref<16x128xf32, #tpu.memory_space<vmem_shared>>
        tpu.wait_dma2 semaphore(%run_scoped3A : memref<!tpu.dma_semaphore, #tpu.memory_space<semaphore_mem>>) src(%dma_wait3A_35 : memref<16x128xf32, #tpu.memory_space<vmem_shared>>) dst(%dma_wait3A_32 : memref<16x128xf32, #tpu.memory_space<hbm>>)
        tpu.yield
      }) : () -> ()
    } else {
    }
    return
  }
}

#map = affine_map<(d0, d1) -> (0, 0)>
#map1 = affine_map<(d0, d1) -> (0)>
module attributes {stable_mosaic.version = 14 : i64} {
  func.func @_prop_kernel(%arg0: i32, %arg1: i32, %arg2: memref<10000x128xf32, #tpu.memory_space<hbm>>, %arg3: memref<327680xi32, #tpu.memory_space<hbm>>, %arg4: memref<327680xi32, #tpu.memory_space<hbm>>, %arg5: memref<10000x128xf32, #tpu.memory_space<hbm>>, %arg6: memref<20000x128xf32, #tpu.memory_space<hbm>>, %arg7: memref<128xi32, #tpu.memory_space<vmem>>, %arg8: memref<128xi32, #tpu.memory_space<vmem>>, %arg9: memref<128xi32, #tpu.memory_space<vmem>>, %arg10: memref<128xi32, #tpu.memory_space<vmem>>, %arg11: memref<128x128xf32, #tpu.memory_space<vmem>>, %arg12: memref<128x128xf32, #tpu.memory_space<vmem>>, %arg13: memref<10008x128xf32, #tpu.memory_space<vmem_shared>>, %arg14: memref<!tpu.dma_semaphore, #tpu.memory_space<semaphore_mem>>, %arg15: memref<!tpu.dma_semaphore, #tpu.memory_space<semaphore_mem>>) attributes {dimension_semantics = [#tpu.dimension_semantics<core_parallel>, #tpu.dimension_semantics<subcore_parallel>], iteration_bounds = array<i64: 2, 16>, scalar_prefetch = 0 : i64, scratch_operands = 9 : i64, tpu.core_type = #tpu.core_type<sc_vector_subcore>, window_params = [{transform_indices = #map}, {transform_indices = #map1}, {transform_indices = #map1}, {transform_indices = #map}, {transform_indices = #map}]} {
    %mul3A = arith.constant 16 : i32
    %mul3A_0 = arith.muli %arg0, %mul3A : i32
    %add3A = arith.addi %mul3A_0, %arg1 : i32
    %mul3A_1 = arith.constant 624 : i32
    %mul3A_2 = arith.muli %arg1, %mul3A_1 : i32
    %mul3A_3 = arith.constant 624 : i32
    %mul3A_4 = arith.muli %arg1, %mul3A_3 : i32
    "tpu.region"() ({
      %run_scoped3A = tpu.sem_alloc : memref<!tpu.dma_semaphore, #tpu.memory_space<semaphore_mem>>
      %dma_start3A = arith.constant 0 : i32
      %dma_start3A_52 = tpu.memref_slice %arg13[%mul3A_4, %dma_start3A] : memref<10008x128xf32, #tpu.memory_space<vmem_shared>> -> memref<624x128xf32, #tpu.memory_space<vmem_shared>>
      %dma_start3A_53 = arith.constant 0 : i32
      %dma_start3A_54 = tpu.memref_slice %arg5[%mul3A_2, %dma_start3A_53] : memref<10000x128xf32, #tpu.memory_space<hbm>> -> memref<624x128xf32, #tpu.memory_space<hbm>>
      tpu.enqueue_dma source(%dma_start3A_54 : memref<624x128xf32, #tpu.memory_space<hbm>>) target(%dma_start3A_52 : memref<624x128xf32, #tpu.memory_space<vmem_shared>>) target_semaphore(%run_scoped3A : memref<!tpu.dma_semaphore, #tpu.memory_space<semaphore_mem>>)
      %dma_wait3A = arith.constant 0 : i32
      %dma_wait3A_55 = tpu.memref_slice %arg13[%mul3A_4, %dma_wait3A] : memref<10008x128xf32, #tpu.memory_space<vmem_shared>> -> memref<624x128xf32, #tpu.memory_space<vmem_shared>>
      %dma_wait3A_56 = arith.constant 0 : i32
      %dma_wait3A_57 = tpu.memref_slice %arg5[%mul3A_2, %dma_wait3A_56] : memref<10000x128xf32, #tpu.memory_space<hbm>> -> memref<624x128xf32, #tpu.memory_space<hbm>>
      tpu.wait_dma2 semaphore(%run_scoped3A : memref<!tpu.dma_semaphore, #tpu.memory_space<semaphore_mem>>) src(%dma_wait3A_57 : memref<624x128xf32, #tpu.memory_space<hbm>>) dst(%dma_wait3A_55 : memref<624x128xf32, #tpu.memory_space<vmem_shared>>)
      tpu.yield
    }) : () -> ()
    %eq3A = arith.constant 15 : i32
    %eq3A_5 = arith.cmpi eq, %arg1, %eq3A : i32
    %convert_element_type3A = arith.extui %eq3A_5 : i1 to i32
    %cond3A = arith.constant 0 : i32
    %cond3A_6 = arith.cmpi ne, %convert_element_type3A, %cond3A : i32
    scf.if %cond3A_6 {
      "tpu.region"() ({
        %run_scoped3A = tpu.sem_alloc : memref<!tpu.dma_semaphore, #tpu.memory_space<semaphore_mem>>
        %dma_start3A = arith.constant 9984 : i32
        %dma_start3A_52 = arith.constant 0 : i32
        %dma_start3A_53 = tpu.memref_slice %arg13[%dma_start3A, %dma_start3A_52] : memref<10008x128xf32, #tpu.memory_space<vmem_shared>> -> memref<16x128xf32, #tpu.memory_space<vmem_shared>>
        %dma_start3A_54 = arith.constant 9984 : i32
        %dma_start3A_55 = arith.constant 0 : i32
        %dma_start3A_56 = tpu.memref_slice %arg5[%dma_start3A_54, %dma_start3A_55] : memref<10000x128xf32, #tpu.memory_space<hbm>> -> memref<16x128xf32, #tpu.memory_space<hbm>>
        tpu.enqueue_dma source(%dma_start3A_56 : memref<16x128xf32, #tpu.memory_space<hbm>>) target(%dma_start3A_53 : memref<16x128xf32, #tpu.memory_space<vmem_shared>>) target_semaphore(%run_scoped3A : memref<!tpu.dma_semaphore, #tpu.memory_space<semaphore_mem>>)
        %dma_wait3A = arith.constant 9984 : i32
        %dma_wait3A_57 = arith.constant 0 : i32
        %dma_wait3A_58 = tpu.memref_slice %arg13[%dma_wait3A, %dma_wait3A_57] : memref<10008x128xf32, #tpu.memory_space<vmem_shared>> -> memref<16x128xf32, #tpu.memory_space<vmem_shared>>
        %dma_wait3A_59 = arith.constant 9984 : i32
        %dma_wait3A_60 = arith.constant 0 : i32
        %dma_wait3A_61 = tpu.memref_slice %arg5[%dma_wait3A_59, %dma_wait3A_60] : memref<10000x128xf32, #tpu.memory_space<hbm>> -> memref<16x128xf32, #tpu.memory_space<hbm>>
        tpu.wait_dma2 semaphore(%run_scoped3A : memref<!tpu.dma_semaphore, #tpu.memory_space<semaphore_mem>>) src(%dma_wait3A_61 : memref<16x128xf32, #tpu.memory_space<hbm>>) dst(%dma_wait3A_58 : memref<16x128xf32, #tpu.memory_space<vmem_shared>>)
        tpu.yield
      }) : () -> ()
    } else {
    }
    %barrier3A = arith.constant 0 : index
    tpu.barrier barrier_id(%barrier3A)
    %eq3A_7 = arith.constant 0 : i32
    %eq3A_8 = arith.cmpi eq, %arg0, %eq3A_7 : i32
    %mul3A_9 = arith.constant 120 : i32
    %mul3A_10 = arith.muli %arg1, %mul3A_9 : i32
    %mul3A_11 = arith.constant 40 : i32
    %mul3A_12 = arith.muli %arg1, %mul3A_11 : i32
    %add3A_13 = arith.constant 1920 : i32
    %add3A_14 = arith.addi %add3A_13, %mul3A_12 : i32
    %select_n3A = arith.select %eq3A_8, %mul3A_10, %add3A_14 : i32
    %eq3A_15 = arith.constant 0 : i32
    %eq3A_16 = arith.cmpi eq, %arg0, %eq3A_15 : i32
    %jit3A = arith.constant 120 : i32
    %jit3A_17 = arith.constant 40 : i32
    %select_n3A_18 = arith.select %eq3A_16, %jit3A, %jit3A_17 : i32
    %gt3A = arith.constant 0 : i32
    %gt3A_19 = arith.cmpi sgt, %select_n3A_18, %gt3A : i32
    %convert_element_type3A_20 = arith.extui %gt3A_19 : i1 to i32
    %cond3A_21 = arith.constant 0 : i32
    %cond3A_22 = arith.cmpi ne, %convert_element_type3A_20, %cond3A_21 : i32
    scf.if %cond3A_22 {
      %mul3A_52 = arith.constant 128 : i32
      %mul3A_53 = arith.muli %select_n3A, %mul3A_52 : i32
      "tpu.region"() ({
        %run_scoped3A = tpu.sem_alloc : memref<!tpu.dma_semaphore, #tpu.memory_space<semaphore_mem>>
        %dma_start3A_66 = tpu.memref_slice %arg3[%mul3A_53] : memref<327680xi32, #tpu.memory_space<hbm>> -> memref<128xi32, #tpu.memory_space<hbm>>
        %dma_start3A_67 = tpu.memref_slice %arg3[%mul3A_53] : memref<327680xi32, #tpu.memory_space<hbm>> -> memref<128xi32, #tpu.memory_space<hbm>>
        tpu.enqueue_dma source(%dma_start3A_67 : memref<128xi32, #tpu.memory_space<hbm>>) target(%arg7 : memref<128xi32, #tpu.memory_space<vmem>>) target_semaphore(%run_scoped3A : memref<!tpu.dma_semaphore, #tpu.memory_space<semaphore_mem>>)
        %dma_wait3A = tpu.memref_slice %arg3[%mul3A_53] : memref<327680xi32, #tpu.memory_space<hbm>> -> memref<128xi32, #tpu.memory_space<hbm>>
        %dma_wait3A_68 = tpu.memref_slice %arg3[%mul3A_53] : memref<327680xi32, #tpu.memory_space<hbm>> -> memref<128xi32, #tpu.memory_space<hbm>>
        tpu.wait_dma2 semaphore(%run_scoped3A : memref<!tpu.dma_semaphore, #tpu.memory_space<semaphore_mem>>) src(%dma_wait3A_68 : memref<128xi32, #tpu.memory_space<hbm>>) dst(%arg7 : memref<128xi32, #tpu.memory_space<vmem>>)
        tpu.yield
      }) : () -> ()
      %mul3A_54 = arith.constant 128 : i32
      %mul3A_55 = arith.muli %select_n3A, %mul3A_54 : i32
      "tpu.region"() ({
        %run_scoped3A = tpu.sem_alloc : memref<!tpu.dma_semaphore, #tpu.memory_space<semaphore_mem>>
        %dma_start3A_66 = tpu.memref_slice %arg4[%mul3A_55] : memref<327680xi32, #tpu.memory_space<hbm>> -> memref<128xi32, #tpu.memory_space<hbm>>
        %dma_start3A_67 = tpu.memref_slice %arg4[%mul3A_55] : memref<327680xi32, #tpu.memory_space<hbm>> -> memref<128xi32, #tpu.memory_space<hbm>>
        tpu.enqueue_dma source(%dma_start3A_67 : memref<128xi32, #tpu.memory_space<hbm>>) target(%arg8 : memref<128xi32, #tpu.memory_space<vmem>>) target_semaphore(%run_scoped3A : memref<!tpu.dma_semaphore, #tpu.memory_space<semaphore_mem>>)
        %dma_wait3A = tpu.memref_slice %arg4[%mul3A_55] : memref<327680xi32, #tpu.memory_space<hbm>> -> memref<128xi32, #tpu.memory_space<hbm>>
        %dma_wait3A_68 = tpu.memref_slice %arg4[%mul3A_55] : memref<327680xi32, #tpu.memory_space<hbm>> -> memref<128xi32, #tpu.memory_space<hbm>>
        tpu.wait_dma2 semaphore(%run_scoped3A : memref<!tpu.dma_semaphore, #tpu.memory_space<semaphore_mem>>) src(%dma_wait3A_68 : memref<128xi32, #tpu.memory_space<hbm>>) dst(%arg8 : memref<128xi32, #tpu.memory_space<vmem>>)
        tpu.yield
      }) : () -> ()
      %dma_start3A = arith.constant 0 : i32
      %dma_start3A_56 = arith.constant 0 : i32
      %dma_start3A_57 = tpu.memref_slice %arg2[%dma_start3A, %dma_start3A_56] : memref<10000x128xf32, #tpu.memory_space<hbm>> -> memref<10000x128xf32, #tpu.memory_space<hbm>>
      tpu.enqueue_indirect_dma source(%dma_start3A_57 : memref<10000x128xf32, #tpu.memory_space<hbm>>) target(%arg11 : memref<128x128xf32, #tpu.memory_space<vmem>>) offsets(%arg7 : memref<128xi32, #tpu.memory_space<vmem>>) semaphore(%arg14 : memref<!tpu.dma_semaphore, #tpu.memory_space<semaphore_mem>>)
      %add3A_58 = arith.constant 1 : i32
      %add3A_59 = arith.addi %select_n3A, %add3A_58 : i32
      %mul3A_60 = arith.constant 128 : i32
      %mul3A_61 = arith.muli %add3A_59, %mul3A_60 : i32
      "tpu.region"() ({
        %run_scoped3A = tpu.sem_alloc : memref<!tpu.dma_semaphore, #tpu.memory_space<semaphore_mem>>
        %dma_start3A_66 = tpu.memref_slice %arg3[%mul3A_61] : memref<327680xi32, #tpu.memory_space<hbm>> -> memref<128xi32, #tpu.memory_space<hbm>>
        %dma_start3A_67 = tpu.memref_slice %arg3[%mul3A_61] : memref<327680xi32, #tpu.memory_space<hbm>> -> memref<128xi32, #tpu.memory_space<hbm>>
        tpu.enqueue_dma source(%dma_start3A_67 : memref<128xi32, #tpu.memory_space<hbm>>) target(%arg9 : memref<128xi32, #tpu.memory_space<vmem>>) target_semaphore(%run_scoped3A : memref<!tpu.dma_semaphore, #tpu.memory_space<semaphore_mem>>)
        %dma_wait3A = tpu.memref_slice %arg3[%mul3A_61] : memref<327680xi32, #tpu.memory_space<hbm>> -> memref<128xi32, #tpu.memory_space<hbm>>
        %dma_wait3A_68 = tpu.memref_slice %arg3[%mul3A_61] : memref<327680xi32, #tpu.memory_space<hbm>> -> memref<128xi32, #tpu.memory_space<hbm>>
        tpu.wait_dma2 semaphore(%run_scoped3A : memref<!tpu.dma_semaphore, #tpu.memory_space<semaphore_mem>>) src(%dma_wait3A_68 : memref<128xi32, #tpu.memory_space<hbm>>) dst(%arg9 : memref<128xi32, #tpu.memory_space<vmem>>)
        tpu.yield
      }) : () -> ()
      %add3A_62 = arith.constant 1 : i32
      %add3A_63 = arith.addi %select_n3A, %add3A_62 : i32
      %mul3A_64 = arith.constant 128 : i32
      %mul3A_65 = arith.muli %add3A_63, %mul3A_64 : i32
      "tpu.region"() ({
        %run_scoped3A = tpu.sem_alloc : memref<!tpu.dma_semaphore, #tpu.memory_space<semaphore_mem>>
        %dma_start3A_66 = tpu.memref_slice %arg4[%mul3A_65] : memref<327680xi32, #tpu.memory_space<hbm>> -> memref<128xi32, #tpu.memory_space<hbm>>
        %dma_start3A_67 = tpu.memref_slice %arg4[%mul3A_65] : memref<327680xi32, #tpu.memory_space<hbm>> -> memref<128xi32, #tpu.memory_space<hbm>>
        tpu.enqueue_dma source(%dma_start3A_67 : memref<128xi32, #tpu.memory_space<hbm>>) target(%arg10 : memref<128xi32, #tpu.memory_space<vmem>>) target_semaphore(%run_scoped3A : memref<!tpu.dma_semaphore, #tpu.memory_space<semaphore_mem>>)
        %dma_wait3A = tpu.memref_slice %arg4[%mul3A_65] : memref<327680xi32, #tpu.memory_space<hbm>> -> memref<128xi32, #tpu.memory_space<hbm>>
        %dma_wait3A_68 = tpu.memref_slice %arg4[%mul3A_65] : memref<327680xi32, #tpu.memory_space<hbm>> -> memref<128xi32, #tpu.memory_space<hbm>>
        tpu.wait_dma2 semaphore(%run_scoped3A : memref<!tpu.dma_semaphore, #tpu.memory_space<semaphore_mem>>) src(%dma_wait3A_68 : memref<128xi32, #tpu.memory_space<hbm>>) dst(%arg10 : memref<128xi32, #tpu.memory_space<vmem>>)
        tpu.yield
      }) : () -> ()
    } else {
    }
    %sub3A = arith.constant 0 : i32
    %sub3A_23 = arith.subi %select_n3A_18, %sub3A : i32
    %sub3A_24 = arith.constant 2 : i32
    %sub3A_25 = arith.constant 1 : i32
    %sub3A_26 = arith.subi %sub3A_24, %sub3A_25 : i32
    %add3A_27 = arith.addi %sub3A_23, %sub3A_26 : i32
    %div3A = arith.constant 2 : i32
    %div3A_28 = arith.divsi %add3A_27, %div3A : i32
    %while3A = arith.constant 2 : i32
    %while3A_29 = arith.constant 0 : i32
    %while3A_30 = arith.constant 0 : i32
    %while3A_31 = arith.subi %div3A_28, %while3A_30 : i32
    %while3A_32 = arith.addi %while3A_30, %while3A_31 : i32
    %while3A_33 = arith.constant 1 : i32
    %while3A_34 = arith.divsi %while3A_31, %while3A_33 : i32
    %while3A_35 = arith.muli %while3A_34, %while3A_33 : i32
    %while3A_36 = arith.addi %while3A_30, %while3A_35 : i32
    %while3A_37 = arith.constant 1 : i32
    scf.for %while3A_52 = %while3A_30 to %while3A_36 step %while3A_37  : i32 {
      %mul3A_53 = arith.muli %while3A_52, %while3A : i32
      %add3A_54 = arith.addi %while3A_29, %mul3A_53 : i32
      %dma_wait3A = arith.constant 0 : i32
      %dma_wait3A_55 = arith.constant 0 : i32
      %dma_wait3A_56 = tpu.memref_slice %arg2[%dma_wait3A, %dma_wait3A_55] : memref<10000x128xf32, #tpu.memory_space<hbm>> -> memref<10000x128xf32, #tpu.memory_space<hbm>>
      tpu.wait_indirect_dma semaphore(%arg14 : memref<!tpu.dma_semaphore, #tpu.memory_space<semaphore_mem>>) src(%dma_wait3A_56 : memref<10000x128xf32, #tpu.memory_space<hbm>>) dst(%arg11 : memref<128x128xf32, #tpu.memory_space<vmem>>)
      %dma_start3A = arith.constant 0 : i32
      %dma_start3A_57 = arith.constant 0 : i32
      %dma_start3A_58 = tpu.memref_slice %arg2[%dma_start3A, %dma_start3A_57] : memref<10000x128xf32, #tpu.memory_space<hbm>> -> memref<10000x128xf32, #tpu.memory_space<hbm>>
      tpu.enqueue_indirect_dma source(%dma_start3A_58 : memref<10000x128xf32, #tpu.memory_space<hbm>>) target(%arg12 : memref<128x128xf32, #tpu.memory_space<vmem>>) offsets(%arg9 : memref<128xi32, #tpu.memory_space<vmem>>) semaphore(%arg15 : memref<!tpu.dma_semaphore, #tpu.memory_space<semaphore_mem>>)
      "tpu.region"() ({
        %run_scoped3A = tpu.sem_alloc : memref<!tpu.dma_semaphore, #tpu.memory_space<semaphore_mem>>
        %dma_start3A_79 = arith.constant 0 : i32
        %dma_start3A_80 = arith.constant 0 : i32
        %dma_start3A_81 = tpu.memref_slice %arg13[%dma_start3A_79, %dma_start3A_80] : memref<10008x128xf32, #tpu.memory_space<vmem_shared>> -> memref<10008x128xf32, #tpu.memory_space<vmem_shared>>
        tpu.enqueue_indirect_dma source(%arg11 : memref<128x128xf32, #tpu.memory_space<vmem>>) target(%dma_start3A_81 : memref<10008x128xf32, #tpu.memory_space<vmem_shared>>) offsets(%arg8 : memref<128xi32, #tpu.memory_space<vmem>>) semaphore(%run_scoped3A : memref<!tpu.dma_semaphore, #tpu.memory_space<semaphore_mem>>) {add = true}
        %dma_wait3A_82 = arith.constant 0 : i32
        %dma_wait3A_83 = arith.constant 0 : i32
        %dma_wait3A_84 = tpu.memref_slice %arg13[%dma_wait3A_82, %dma_wait3A_83] : memref<10008x128xf32, #tpu.memory_space<vmem_shared>> -> memref<10008x128xf32, #tpu.memory_space<vmem_shared>>
        tpu.wait_indirect_dma semaphore(%run_scoped3A : memref<!tpu.dma_semaphore, #tpu.memory_space<semaphore_mem>>) src(%arg11 : memref<128x128xf32, #tpu.memory_space<vmem>>) dst(%dma_wait3A_84 : memref<10008x128xf32, #tpu.memory_space<vmem_shared>>)
        tpu.yield
      }) : () -> ()
      %add3A_59 = arith.constant 2 : i32
      %add3A_60 = arith.addi %add3A_54, %add3A_59 : i32
      %lt3A = arith.cmpi slt, %add3A_60, %select_n3A_18 : i32
      %convert_element_type3A_61 = arith.extui %lt3A : i1 to i32
      %cond3A_62 = arith.constant 0 : i32
      %cond3A_63 = arith.cmpi ne, %convert_element_type3A_61, %cond3A_62 : i32
      scf.if %cond3A_63 {
        %add3A_79 = arith.addi %select_n3A, %add3A_54 : i32
        %add3A_80 = arith.constant 2 : i32
        %add3A_81 = arith.addi %add3A_79, %add3A_80 : i32
        %mul3A_82 = arith.constant 128 : i32
        %mul3A_83 = arith.muli %add3A_81, %mul3A_82 : i32
        "tpu.region"() ({
          %run_scoped3A = tpu.sem_alloc : memref<!tpu.dma_semaphore, #tpu.memory_space<semaphore_mem>>
          %dma_start3A_89 = tpu.memref_slice %arg3[%mul3A_83] : memref<327680xi32, #tpu.memory_space<hbm>> -> memref<128xi32, #tpu.memory_space<hbm>>
          %dma_start3A_90 = tpu.memref_slice %arg3[%mul3A_83] : memref<327680xi32, #tpu.memory_space<hbm>> -> memref<128xi32, #tpu.memory_space<hbm>>
          tpu.enqueue_dma source(%dma_start3A_90 : memref<128xi32, #tpu.memory_space<hbm>>) target(%arg7 : memref<128xi32, #tpu.memory_space<vmem>>) target_semaphore(%run_scoped3A : memref<!tpu.dma_semaphore, #tpu.memory_space<semaphore_mem>>)
          %dma_wait3A_91 = tpu.memref_slice %arg3[%mul3A_83] : memref<327680xi32, #tpu.memory_space<hbm>> -> memref<128xi32, #tpu.memory_space<hbm>>
          %dma_wait3A_92 = tpu.memref_slice %arg3[%mul3A_83] : memref<327680xi32, #tpu.memory_space<hbm>> -> memref<128xi32, #tpu.memory_space<hbm>>
          tpu.wait_dma2 semaphore(%run_scoped3A : memref<!tpu.dma_semaphore, #tpu.memory_space<semaphore_mem>>) src(%dma_wait3A_92 : memref<128xi32, #tpu.memory_space<hbm>>) dst(%arg7 : memref<128xi32, #tpu.memory_space<vmem>>)
          tpu.yield
        }) : () -> ()
        %add3A_84 = arith.addi %select_n3A, %add3A_54 : i32
        %add3A_85 = arith.constant 2 : i32
        %add3A_86 = arith.addi %add3A_84, %add3A_85 : i32
        %mul3A_87 = arith.constant 128 : i32
        %mul3A_88 = arith.muli %add3A_86, %mul3A_87 : i32
        "tpu.region"() ({
          %run_scoped3A = tpu.sem_alloc : memref<!tpu.dma_semaphore, #tpu.memory_space<semaphore_mem>>
          %dma_start3A_89 = tpu.memref_slice %arg4[%mul3A_88] : memref<327680xi32, #tpu.memory_space<hbm>> -> memref<128xi32, #tpu.memory_space<hbm>>
          %dma_start3A_90 = tpu.memref_slice %arg4[%mul3A_88] : memref<327680xi32, #tpu.memory_space<hbm>> -> memref<128xi32, #tpu.memory_space<hbm>>
          tpu.enqueue_dma source(%dma_start3A_90 : memref<128xi32, #tpu.memory_space<hbm>>) target(%arg8 : memref<128xi32, #tpu.memory_space<vmem>>) target_semaphore(%run_scoped3A : memref<!tpu.dma_semaphore, #tpu.memory_space<semaphore_mem>>)
          %dma_wait3A_91 = tpu.memref_slice %arg4[%mul3A_88] : memref<327680xi32, #tpu.memory_space<hbm>> -> memref<128xi32, #tpu.memory_space<hbm>>
          %dma_wait3A_92 = tpu.memref_slice %arg4[%mul3A_88] : memref<327680xi32, #tpu.memory_space<hbm>> -> memref<128xi32, #tpu.memory_space<hbm>>
          tpu.wait_dma2 semaphore(%run_scoped3A : memref<!tpu.dma_semaphore, #tpu.memory_space<semaphore_mem>>) src(%dma_wait3A_92 : memref<128xi32, #tpu.memory_space<hbm>>) dst(%arg8 : memref<128xi32, #tpu.memory_space<vmem>>)
          tpu.yield
        }) : () -> ()
      } else {
      }
      %dma_wait3A_64 = arith.constant 0 : i32
      %dma_wait3A_65 = arith.constant 0 : i32
      %dma_wait3A_66 = tpu.memref_slice %arg2[%dma_wait3A_64, %dma_wait3A_65] : memref<10000x128xf32, #tpu.memory_space<hbm>> -> memref<10000x128xf32, #tpu.memory_space<hbm>>
      tpu.wait_indirect_dma semaphore(%arg15 : memref<!tpu.dma_semaphore, #tpu.memory_space<semaphore_mem>>) src(%dma_wait3A_66 : memref<10000x128xf32, #tpu.memory_space<hbm>>) dst(%arg12 : memref<128x128xf32, #tpu.memory_space<vmem>>)
      %add3A_67 = arith.constant 2 : i32
      %add3A_68 = arith.addi %add3A_54, %add3A_67 : i32
      %lt3A_69 = arith.cmpi slt, %add3A_68, %select_n3A_18 : i32
      %convert_element_type3A_70 = arith.extui %lt3A_69 : i1 to i32
      %cond3A_71 = arith.constant 0 : i32
      %cond3A_72 = arith.cmpi ne, %convert_element_type3A_70, %cond3A_71 : i32
      scf.if %cond3A_72 {
        %dma_start3A_79 = arith.constant 0 : i32
        %dma_start3A_80 = arith.constant 0 : i32
        %dma_start3A_81 = tpu.memref_slice %arg2[%dma_start3A_79, %dma_start3A_80] : memref<10000x128xf32, #tpu.memory_space<hbm>> -> memref<10000x128xf32, #tpu.memory_space<hbm>>
        tpu.enqueue_indirect_dma source(%dma_start3A_81 : memref<10000x128xf32, #tpu.memory_space<hbm>>) target(%arg11 : memref<128x128xf32, #tpu.memory_space<vmem>>) offsets(%arg7 : memref<128xi32, #tpu.memory_space<vmem>>) semaphore(%arg14 : memref<!tpu.dma_semaphore, #tpu.memory_space<semaphore_mem>>)
      } else {
      }
      "tpu.region"() ({
        %run_scoped3A = tpu.sem_alloc : memref<!tpu.dma_semaphore, #tpu.memory_space<semaphore_mem>>
        %dma_start3A_79 = arith.constant 0 : i32
        %dma_start3A_80 = arith.constant 0 : i32
        %dma_start3A_81 = tpu.memref_slice %arg13[%dma_start3A_79, %dma_start3A_80] : memref<10008x128xf32, #tpu.memory_space<vmem_shared>> -> memref<10008x128xf32, #tpu.memory_space<vmem_shared>>
        tpu.enqueue_indirect_dma source(%arg12 : memref<128x128xf32, #tpu.memory_space<vmem>>) target(%dma_start3A_81 : memref<10008x128xf32, #tpu.memory_space<vmem_shared>>) offsets(%arg10 : memref<128xi32, #tpu.memory_space<vmem>>) semaphore(%run_scoped3A : memref<!tpu.dma_semaphore, #tpu.memory_space<semaphore_mem>>) {add = true}
        %dma_wait3A_82 = arith.constant 0 : i32
        %dma_wait3A_83 = arith.constant 0 : i32
        %dma_wait3A_84 = tpu.memref_slice %arg13[%dma_wait3A_82, %dma_wait3A_83] : memref<10008x128xf32, #tpu.memory_space<vmem_shared>> -> memref<10008x128xf32, #tpu.memory_space<vmem_shared>>
        tpu.wait_indirect_dma semaphore(%run_scoped3A : memref<!tpu.dma_semaphore, #tpu.memory_space<semaphore_mem>>) src(%arg12 : memref<128x128xf32, #tpu.memory_space<vmem>>) dst(%dma_wait3A_84 : memref<10008x128xf32, #tpu.memory_space<vmem_shared>>)
        tpu.yield
      }) : () -> ()
      %add3A_73 = arith.constant 3 : i32
      %add3A_74 = arith.addi %add3A_54, %add3A_73 : i32
      %lt3A_75 = arith.cmpi slt, %add3A_74, %select_n3A_18 : i32
      %convert_element_type3A_76 = arith.extui %lt3A_75 : i1 to i32
      %cond3A_77 = arith.constant 0 : i32
      %cond3A_78 = arith.cmpi ne, %convert_element_type3A_76, %cond3A_77 : i32
      scf.if %cond3A_78 {
        %add3A_79 = arith.addi %select_n3A, %add3A_54 : i32
        %add3A_80 = arith.constant 3 : i32
        %add3A_81 = arith.addi %add3A_79, %add3A_80 : i32
        %mul3A_82 = arith.constant 128 : i32
        %mul3A_83 = arith.muli %add3A_81, %mul3A_82 : i32
        "tpu.region"() ({
          %run_scoped3A = tpu.sem_alloc : memref<!tpu.dma_semaphore, #tpu.memory_space<semaphore_mem>>
          %dma_start3A_89 = tpu.memref_slice %arg3[%mul3A_83] : memref<327680xi32, #tpu.memory_space<hbm>> -> memref<128xi32, #tpu.memory_space<hbm>>
          %dma_start3A_90 = tpu.memref_slice %arg3[%mul3A_83] : memref<327680xi32, #tpu.memory_space<hbm>> -> memref<128xi32, #tpu.memory_space<hbm>>
          tpu.enqueue_dma source(%dma_start3A_90 : memref<128xi32, #tpu.memory_space<hbm>>) target(%arg9 : memref<128xi32, #tpu.memory_space<vmem>>) target_semaphore(%run_scoped3A : memref<!tpu.dma_semaphore, #tpu.memory_space<semaphore_mem>>)
          %dma_wait3A_91 = tpu.memref_slice %arg3[%mul3A_83] : memref<327680xi32, #tpu.memory_space<hbm>> -> memref<128xi32, #tpu.memory_space<hbm>>
          %dma_wait3A_92 = tpu.memref_slice %arg3[%mul3A_83] : memref<327680xi32, #tpu.memory_space<hbm>> -> memref<128xi32, #tpu.memory_space<hbm>>
          tpu.wait_dma2 semaphore(%run_scoped3A : memref<!tpu.dma_semaphore, #tpu.memory_space<semaphore_mem>>) src(%dma_wait3A_92 : memref<128xi32, #tpu.memory_space<hbm>>) dst(%arg9 : memref<128xi32, #tpu.memory_space<vmem>>)
          tpu.yield
        }) : () -> ()
        %add3A_84 = arith.addi %select_n3A, %add3A_54 : i32
        %add3A_85 = arith.constant 3 : i32
        %add3A_86 = arith.addi %add3A_84, %add3A_85 : i32
        %mul3A_87 = arith.constant 128 : i32
        %mul3A_88 = arith.muli %add3A_86, %mul3A_87 : i32
        "tpu.region"() ({
          %run_scoped3A = tpu.sem_alloc : memref<!tpu.dma_semaphore, #tpu.memory_space<semaphore_mem>>
          %dma_start3A_89 = tpu.memref_slice %arg4[%mul3A_88] : memref<327680xi32, #tpu.memory_space<hbm>> -> memref<128xi32, #tpu.memory_space<hbm>>
          %dma_start3A_90 = tpu.memref_slice %arg4[%mul3A_88] : memref<327680xi32, #tpu.memory_space<hbm>> -> memref<128xi32, #tpu.memory_space<hbm>>
          tpu.enqueue_dma source(%dma_start3A_90 : memref<128xi32, #tpu.memory_space<hbm>>) target(%arg10 : memref<128xi32, #tpu.memory_space<vmem>>) target_semaphore(%run_scoped3A : memref<!tpu.dma_semaphore, #tpu.memory_space<semaphore_mem>>)
          %dma_wait3A_91 = tpu.memref_slice %arg4[%mul3A_88] : memref<327680xi32, #tpu.memory_space<hbm>> -> memref<128xi32, #tpu.memory_space<hbm>>
          %dma_wait3A_92 = tpu.memref_slice %arg4[%mul3A_88] : memref<327680xi32, #tpu.memory_space<hbm>> -> memref<128xi32, #tpu.memory_space<hbm>>
          tpu.wait_dma2 semaphore(%run_scoped3A : memref<!tpu.dma_semaphore, #tpu.memory_space<semaphore_mem>>) src(%dma_wait3A_92 : memref<128xi32, #tpu.memory_space<hbm>>) dst(%arg10 : memref<128xi32, #tpu.memory_space<vmem>>)
          tpu.yield
        }) : () -> ()
      } else {
      }
    }
    %while3A_38 = arith.constant 1 : i32
    scf.for %while3A_52 = %while3A_36 to %while3A_32 step %while3A_38  : i32 {
      %mul3A_53 = arith.muli %while3A_52, %while3A : i32
      %add3A_54 = arith.addi %while3A_29, %mul3A_53 : i32
      %dma_wait3A = arith.constant 0 : i32
      %dma_wait3A_55 = arith.constant 0 : i32
      %dma_wait3A_56 = tpu.memref_slice %arg2[%dma_wait3A, %dma_wait3A_55] : memref<10000x128xf32, #tpu.memory_space<hbm>> -> memref<10000x128xf32, #tpu.memory_space<hbm>>
      tpu.wait_indirect_dma semaphore(%arg14 : memref<!tpu.dma_semaphore, #tpu.memory_space<semaphore_mem>>) src(%dma_wait3A_56 : memref<10000x128xf32, #tpu.memory_space<hbm>>) dst(%arg11 : memref<128x128xf32, #tpu.memory_space<vmem>>)
      %dma_start3A = arith.constant 0 : i32
      %dma_start3A_57 = arith.constant 0 : i32
      %dma_start3A_58 = tpu.memref_slice %arg2[%dma_start3A, %dma_start3A_57] : memref<10000x128xf32, #tpu.memory_space<hbm>> -> memref<10000x128xf32, #tpu.memory_space<hbm>>
      tpu.enqueue_indirect_dma source(%dma_start3A_58 : memref<10000x128xf32, #tpu.memory_space<hbm>>) target(%arg12 : memref<128x128xf32, #tpu.memory_space<vmem>>) offsets(%arg9 : memref<128xi32, #tpu.memory_space<vmem>>) semaphore(%arg15 : memref<!tpu.dma_semaphore, #tpu.memory_space<semaphore_mem>>)
      "tpu.region"() ({
        %run_scoped3A = tpu.sem_alloc : memref<!tpu.dma_semaphore, #tpu.memory_space<semaphore_mem>>
        %dma_start3A_79 = arith.constant 0 : i32
        %dma_start3A_80 = arith.constant 0 : i32
        %dma_start3A_81 = tpu.memref_slice %arg13[%dma_start3A_79, %dma_start3A_80] : memref<10008x128xf32, #tpu.memory_space<vmem_shared>> -> memref<10008x128xf32, #tpu.memory_space<vmem_shared>>
        tpu.enqueue_indirect_dma source(%arg11 : memref<128x128xf32, #tpu.memory_space<vmem>>) target(%dma_start3A_81 : memref<10008x128xf32, #tpu.memory_space<vmem_shared>>) offsets(%arg8 : memref<128xi32, #tpu.memory_space<vmem>>) semaphore(%run_scoped3A : memref<!tpu.dma_semaphore, #tpu.memory_space<semaphore_mem>>) {add = true}
        %dma_wait3A_82 = arith.constant 0 : i32
        %dma_wait3A_83 = arith.constant 0 : i32
        %dma_wait3A_84 = tpu.memref_slice %arg13[%dma_wait3A_82, %dma_wait3A_83] : memref<10008x128xf32, #tpu.memory_space<vmem_shared>> -> memref<10008x128xf32, #tpu.memory_space<vmem_shared>>
        tpu.wait_indirect_dma semaphore(%run_scoped3A : memref<!tpu.dma_semaphore, #tpu.memory_space<semaphore_mem>>) src(%arg11 : memref<128x128xf32, #tpu.memory_space<vmem>>) dst(%dma_wait3A_84 : memref<10008x128xf32, #tpu.memory_space<vmem_shared>>)
        tpu.yield
      }) : () -> ()
      %add3A_59 = arith.constant 2 : i32
      %add3A_60 = arith.addi %add3A_54, %add3A_59 : i32
      %lt3A = arith.cmpi slt, %add3A_60, %select_n3A_18 : i32
      %convert_element_type3A_61 = arith.extui %lt3A : i1 to i32
      %cond3A_62 = arith.constant 0 : i32
      %cond3A_63 = arith.cmpi ne, %convert_element_type3A_61, %cond3A_62 : i32
      scf.if %cond3A_63 {
        %add3A_79 = arith.addi %select_n3A, %add3A_54 : i32
        %add3A_80 = arith.constant 2 : i32
        %add3A_81 = arith.addi %add3A_79, %add3A_80 : i32
        %mul3A_82 = arith.constant 128 : i32
        %mul3A_83 = arith.muli %add3A_81, %mul3A_82 : i32
        "tpu.region"() ({
          %run_scoped3A = tpu.sem_alloc : memref<!tpu.dma_semaphore, #tpu.memory_space<semaphore_mem>>
          %dma_start3A_89 = tpu.memref_slice %arg3[%mul3A_83] : memref<327680xi32, #tpu.memory_space<hbm>> -> memref<128xi32, #tpu.memory_space<hbm>>
          %dma_start3A_90 = tpu.memref_slice %arg3[%mul3A_83] : memref<327680xi32, #tpu.memory_space<hbm>> -> memref<128xi32, #tpu.memory_space<hbm>>
          tpu.enqueue_dma source(%dma_start3A_90 : memref<128xi32, #tpu.memory_space<hbm>>) target(%arg7 : memref<128xi32, #tpu.memory_space<vmem>>) target_semaphore(%run_scoped3A : memref<!tpu.dma_semaphore, #tpu.memory_space<semaphore_mem>>)
          %dma_wait3A_91 = tpu.memref_slice %arg3[%mul3A_83] : memref<327680xi32, #tpu.memory_space<hbm>> -> memref<128xi32, #tpu.memory_space<hbm>>
          %dma_wait3A_92 = tpu.memref_slice %arg3[%mul3A_83] : memref<327680xi32, #tpu.memory_space<hbm>> -> memref<128xi32, #tpu.memory_space<hbm>>
          tpu.wait_dma2 semaphore(%run_scoped3A : memref<!tpu.dma_semaphore, #tpu.memory_space<semaphore_mem>>) src(%dma_wait3A_92 : memref<128xi32, #tpu.memory_space<hbm>>) dst(%arg7 : memref<128xi32, #tpu.memory_space<vmem>>)
          tpu.yield
        }) : () -> ()
        %add3A_84 = arith.addi %select_n3A, %add3A_54 : i32
        %add3A_85 = arith.constant 2 : i32
        %add3A_86 = arith.addi %add3A_84, %add3A_85 : i32
        %mul3A_87 = arith.constant 128 : i32
        %mul3A_88 = arith.muli %add3A_86, %mul3A_87 : i32
        "tpu.region"() ({
          %run_scoped3A = tpu.sem_alloc : memref<!tpu.dma_semaphore, #tpu.memory_space<semaphore_mem>>
          %dma_start3A_89 = tpu.memref_slice %arg4[%mul3A_88] : memref<327680xi32, #tpu.memory_space<hbm>> -> memref<128xi32, #tpu.memory_space<hbm>>
          %dma_start3A_90 = tpu.memref_slice %arg4[%mul3A_88] : memref<327680xi32, #tpu.memory_space<hbm>> -> memref<128xi32, #tpu.memory_space<hbm>>
          tpu.enqueue_dma source(%dma_start3A_90 : memref<128xi32, #tpu.memory_space<hbm>>) target(%arg8 : memref<128xi32, #tpu.memory_space<vmem>>) target_semaphore(%run_scoped3A : memref<!tpu.dma_semaphore, #tpu.memory_space<semaphore_mem>>)
          %dma_wait3A_91 = tpu.memref_slice %arg4[%mul3A_88] : memref<327680xi32, #tpu.memory_space<hbm>> -> memref<128xi32, #tpu.memory_space<hbm>>
          %dma_wait3A_92 = tpu.memref_slice %arg4[%mul3A_88] : memref<327680xi32, #tpu.memory_space<hbm>> -> memref<128xi32, #tpu.memory_space<hbm>>
          tpu.wait_dma2 semaphore(%run_scoped3A : memref<!tpu.dma_semaphore, #tpu.memory_space<semaphore_mem>>) src(%dma_wait3A_92 : memref<128xi32, #tpu.memory_space<hbm>>) dst(%arg8 : memref<128xi32, #tpu.memory_space<vmem>>)
          tpu.yield
        }) : () -> ()
      } else {
      }
      %dma_wait3A_64 = arith.constant 0 : i32
      %dma_wait3A_65 = arith.constant 0 : i32
      %dma_wait3A_66 = tpu.memref_slice %arg2[%dma_wait3A_64, %dma_wait3A_65] : memref<10000x128xf32, #tpu.memory_space<hbm>> -> memref<10000x128xf32, #tpu.memory_space<hbm>>
      tpu.wait_indirect_dma semaphore(%arg15 : memref<!tpu.dma_semaphore, #tpu.memory_space<semaphore_mem>>) src(%dma_wait3A_66 : memref<10000x128xf32, #tpu.memory_space<hbm>>) dst(%arg12 : memref<128x128xf32, #tpu.memory_space<vmem>>)
      %add3A_67 = arith.constant 2 : i32
      %add3A_68 = arith.addi %add3A_54, %add3A_67 : i32
      %lt3A_69 = arith.cmpi slt, %add3A_68, %select_n3A_18 : i32
      %convert_element_type3A_70 = arith.extui %lt3A_69 : i1 to i32
      %cond3A_71 = arith.constant 0 : i32
      %cond3A_72 = arith.cmpi ne, %convert_element_type3A_70, %cond3A_71 : i32
      scf.if %cond3A_72 {
        %dma_start3A_79 = arith.constant 0 : i32
        %dma_start3A_80 = arith.constant 0 : i32
        %dma_start3A_81 = tpu.memref_slice %arg2[%dma_start3A_79, %dma_start3A_80] : memref<10000x128xf32, #tpu.memory_space<hbm>> -> memref<10000x128xf32, #tpu.memory_space<hbm>>
        tpu.enqueue_indirect_dma source(%dma_start3A_81 : memref<10000x128xf32, #tpu.memory_space<hbm>>) target(%arg11 : memref<128x128xf32, #tpu.memory_space<vmem>>) offsets(%arg7 : memref<128xi32, #tpu.memory_space<vmem>>) semaphore(%arg14 : memref<!tpu.dma_semaphore, #tpu.memory_space<semaphore_mem>>)
      } else {
      }
      "tpu.region"() ({
        %run_scoped3A = tpu.sem_alloc : memref<!tpu.dma_semaphore, #tpu.memory_space<semaphore_mem>>
        %dma_start3A_79 = arith.constant 0 : i32
        %dma_start3A_80 = arith.constant 0 : i32
        %dma_start3A_81 = tpu.memref_slice %arg13[%dma_start3A_79, %dma_start3A_80] : memref<10008x128xf32, #tpu.memory_space<vmem_shared>> -> memref<10008x128xf32, #tpu.memory_space<vmem_shared>>
        tpu.enqueue_indirect_dma source(%arg12 : memref<128x128xf32, #tpu.memory_space<vmem>>) target(%dma_start3A_81 : memref<10008x128xf32, #tpu.memory_space<vmem_shared>>) offsets(%arg10 : memref<128xi32, #tpu.memory_space<vmem>>) semaphore(%run_scoped3A : memref<!tpu.dma_semaphore, #tpu.memory_space<semaphore_mem>>) {add = true}
        %dma_wait3A_82 = arith.constant 0 : i32
        %dma_wait3A_83 = arith.constant 0 : i32
        %dma_wait3A_84 = tpu.memref_slice %arg13[%dma_wait3A_82, %dma_wait3A_83] : memref<10008x128xf32, #tpu.memory_space<vmem_shared>> -> memref<10008x128xf32, #tpu.memory_space<vmem_shared>>
        tpu.wait_indirect_dma semaphore(%run_scoped3A : memref<!tpu.dma_semaphore, #tpu.memory_space<semaphore_mem>>) src(%arg12 : memref<128x128xf32, #tpu.memory_space<vmem>>) dst(%dma_wait3A_84 : memref<10008x128xf32, #tpu.memory_space<vmem_shared>>)
        tpu.yield
      }) : () -> ()
      %add3A_73 = arith.constant 3 : i32
      %add3A_74 = arith.addi %add3A_54, %add3A_73 : i32
      %lt3A_75 = arith.cmpi slt, %add3A_74, %select_n3A_18 : i32
      %convert_element_type3A_76 = arith.extui %lt3A_75 : i1 to i32
      %cond3A_77 = arith.constant 0 : i32
      %cond3A_78 = arith.cmpi ne, %convert_element_type3A_76, %cond3A_77 : i32
      scf.if %cond3A_78 {
        %add3A_79 = arith.addi %select_n3A, %add3A_54 : i32
        %add3A_80 = arith.constant 3 : i32
        %add3A_81 = arith.addi %add3A_79, %add3A_80 : i32
        %mul3A_82 = arith.constant 128 : i32
        %mul3A_83 = arith.muli %add3A_81, %mul3A_82 : i32
        "tpu.region"() ({
          %run_scoped3A = tpu.sem_alloc : memref<!tpu.dma_semaphore, #tpu.memory_space<semaphore_mem>>
          %dma_start3A_89 = tpu.memref_slice %arg3[%mul3A_83] : memref<327680xi32, #tpu.memory_space<hbm>> -> memref<128xi32, #tpu.memory_space<hbm>>
          %dma_start3A_90 = tpu.memref_slice %arg3[%mul3A_83] : memref<327680xi32, #tpu.memory_space<hbm>> -> memref<128xi32, #tpu.memory_space<hbm>>
          tpu.enqueue_dma source(%dma_start3A_90 : memref<128xi32, #tpu.memory_space<hbm>>) target(%arg9 : memref<128xi32, #tpu.memory_space<vmem>>) target_semaphore(%run_scoped3A : memref<!tpu.dma_semaphore, #tpu.memory_space<semaphore_mem>>)
          %dma_wait3A_91 = tpu.memref_slice %arg3[%mul3A_83] : memref<327680xi32, #tpu.memory_space<hbm>> -> memref<128xi32, #tpu.memory_space<hbm>>
          %dma_wait3A_92 = tpu.memref_slice %arg3[%mul3A_83] : memref<327680xi32, #tpu.memory_space<hbm>> -> memref<128xi32, #tpu.memory_space<hbm>>
          tpu.wait_dma2 semaphore(%run_scoped3A : memref<!tpu.dma_semaphore, #tpu.memory_space<semaphore_mem>>) src(%dma_wait3A_92 : memref<128xi32, #tpu.memory_space<hbm>>) dst(%arg9 : memref<128xi32, #tpu.memory_space<vmem>>)
          tpu.yield
        }) : () -> ()
        %add3A_84 = arith.addi %select_n3A, %add3A_54 : i32
        %add3A_85 = arith.constant 3 : i32
        %add3A_86 = arith.addi %add3A_84, %add3A_85 : i32
        %mul3A_87 = arith.constant 128 : i32
        %mul3A_88 = arith.muli %add3A_86, %mul3A_87 : i32
        "tpu.region"() ({
          %run_scoped3A = tpu.sem_alloc : memref<!tpu.dma_semaphore, #tpu.memory_space<semaphore_mem>>
          %dma_start3A_89 = tpu.memref_slice %arg4[%mul3A_88] : memref<327680xi32, #tpu.memory_space<hbm>> -> memref<128xi32, #tpu.memory_space<hbm>>
          %dma_start3A_90 = tpu.memref_slice %arg4[%mul3A_88] : memref<327680xi32, #tpu.memory_space<hbm>> -> memref<128xi32, #tpu.memory_space<hbm>>
          tpu.enqueue_dma source(%dma_start3A_90 : memref<128xi32, #tpu.memory_space<hbm>>) target(%arg10 : memref<128xi32, #tpu.memory_space<vmem>>) target_semaphore(%run_scoped3A : memref<!tpu.dma_semaphore, #tpu.memory_space<semaphore_mem>>)
          %dma_wait3A_91 = tpu.memref_slice %arg4[%mul3A_88] : memref<327680xi32, #tpu.memory_space<hbm>> -> memref<128xi32, #tpu.memory_space<hbm>>
          %dma_wait3A_92 = tpu.memref_slice %arg4[%mul3A_88] : memref<327680xi32, #tpu.memory_space<hbm>> -> memref<128xi32, #tpu.memory_space<hbm>>
          tpu.wait_dma2 semaphore(%run_scoped3A : memref<!tpu.dma_semaphore, #tpu.memory_space<semaphore_mem>>) src(%dma_wait3A_92 : memref<128xi32, #tpu.memory_space<hbm>>) dst(%arg10 : memref<128xi32, #tpu.memory_space<vmem>>)
          tpu.yield
        }) : () -> ()
      } else {
      }
    }
    %barrier3A_39 = arith.constant 0 : index
    tpu.barrier barrier_id(%barrier3A_39)
    %mul3A_40 = arith.constant 624 : i32
    %mul3A_41 = arith.muli %arg1, %mul3A_40 : i32
    %mul3A_42 = arith.constant 10000 : i32
    %mul3A_43 = arith.muli %arg0, %mul3A_42 : i32
    %mul3A_44 = arith.constant 624 : i32
    %mul3A_45 = arith.muli %arg1, %mul3A_44 : i32
    %add3A_46 = arith.addi %mul3A_43, %mul3A_45 : i32
    "tpu.region"() ({
      %run_scoped3A = tpu.sem_alloc : memref<!tpu.dma_semaphore, #tpu.memory_space<semaphore_mem>>
      %dma_start3A = arith.constant 0 : i32
      %dma_start3A_52 = tpu.memref_slice %arg6[%add3A_46, %dma_start3A] : memref<20000x128xf32, #tpu.memory_space<hbm>> -> memref<624x128xf32, #tpu.memory_space<hbm>>
      %dma_start3A_53 = arith.constant 0 : i32
      %dma_start3A_54 = tpu.memref_slice %arg13[%mul3A_41, %dma_start3A_53] : memref<10008x128xf32, #tpu.memory_space<vmem_shared>> -> memref<624x128xf32, #tpu.memory_space<vmem_shared>>
      tpu.enqueue_dma source(%dma_start3A_54 : memref<624x128xf32, #tpu.memory_space<vmem_shared>>) target(%dma_start3A_52 : memref<624x128xf32, #tpu.memory_space<hbm>>) target_semaphore(%run_scoped3A : memref<!tpu.dma_semaphore, #tpu.memory_space<semaphore_mem>>)
      %dma_wait3A = arith.constant 0 : i32
      %dma_wait3A_55 = tpu.memref_slice %arg6[%add3A_46, %dma_wait3A] : memref<20000x128xf32, #tpu.memory_space<hbm>> -> memref<624x128xf32, #tpu.memory_space<hbm>>
      %dma_wait3A_56 = arith.constant 0 : i32
      %dma_wait3A_57 = tpu.memref_slice %arg13[%mul3A_41, %dma_wait3A_56] : memref<10008x128xf32, #tpu.memory_space<vmem_shared>> -> memref<624x128xf32, #tpu.memory_space<vmem_shared>>
      tpu.wait_dma2 semaphore(%run_scoped3A : memref<!tpu.dma_semaphore, #tpu.memory_space<semaphore_mem>>) src(%dma_wait3A_57 : memref<624x128xf32, #tpu.memory_space<vmem_shared>>) dst(%dma_wait3A_55 : memref<624x128xf32, #tpu.memory_space<hbm>>)
      tpu.yield
    }) : () -> ()
    %eq3A_47 = arith.constant 15 : i32
    %eq3A_48 = arith.cmpi eq, %arg1, %eq3A_47 : i32
    %convert_element_type3A_49 = arith.extui %eq3A_48 : i1 to i32
    %cond3A_50 = arith.constant 0 : i32
    %cond3A_51 = arith.cmpi ne, %convert_element_type3A_49, %cond3A_50 : i32
    scf.if %cond3A_51 {
      %mul3A_52 = arith.constant 10000 : i32
      %mul3A_53 = arith.muli %arg0, %mul3A_52 : i32
      %add3A_54 = arith.constant 9984 : i32
      %add3A_55 = arith.addi %mul3A_53, %add3A_54 : i32
      "tpu.region"() ({
        %run_scoped3A = tpu.sem_alloc : memref<!tpu.dma_semaphore, #tpu.memory_space<semaphore_mem>>
        %dma_start3A = arith.constant 0 : i32
        %dma_start3A_56 = tpu.memref_slice %arg6[%add3A_55, %dma_start3A] : memref<20000x128xf32, #tpu.memory_space<hbm>> -> memref<16x128xf32, #tpu.memory_space<hbm>>
        %dma_start3A_57 = arith.constant 9984 : i32
        %dma_start3A_58 = arith.constant 0 : i32
        %dma_start3A_59 = tpu.memref_slice %arg13[%dma_start3A_57, %dma_start3A_58] : memref<10008x128xf32, #tpu.memory_space<vmem_shared>> -> memref<16x128xf32, #tpu.memory_space<vmem_shared>>
        tpu.enqueue_dma source(%dma_start3A_59 : memref<16x128xf32, #tpu.memory_space<vmem_shared>>) target(%dma_start3A_56 : memref<16x128xf32, #tpu.memory_space<hbm>>) target_semaphore(%run_scoped3A : memref<!tpu.dma_semaphore, #tpu.memory_space<semaphore_mem>>)
        %dma_wait3A = arith.constant 0 : i32
        %dma_wait3A_60 = tpu.memref_slice %arg6[%add3A_55, %dma_wait3A] : memref<20000x128xf32, #tpu.memory_space<hbm>> -> memref<16x128xf32, #tpu.memory_space<hbm>>
        %dma_wait3A_61 = arith.constant 9984 : i32
        %dma_wait3A_62 = arith.constant 0 : i32
        %dma_wait3A_63 = tpu.memref_slice %arg13[%dma_wait3A_61, %dma_wait3A_62] : memref<10008x128xf32, #tpu.memory_space<vmem_shared>> -> memref<16x128xf32, #tpu.memory_space<vmem_shared>>
        tpu.wait_dma2 semaphore(%run_scoped3A : memref<!tpu.dma_semaphore, #tpu.memory_space<semaphore_mem>>) src(%dma_wait3A_63 : memref<16x128xf32, #tpu.memory_space<vmem_shared>>) dst(%dma_wait3A_60 : memref<16x128xf32, #tpu.memory_space<hbm>>)
        tpu.yield
      }) : () -> ()
    } else {
    }
    return
  }
}

module attributes {stable_mosaic.version = 14 : i64} {
  func.func @_layer1_body(%arg0: i32, %arg1: memref<1000x128xf32, #tpu.memory_space<vmem>>, %arg2: memref<128x128xf32, #tpu.memory_space<vmem>>, %arg3: memref<1000x128xf32, #tpu.memory_space<vmem>>, %arg4: memref<1000x128xf32, #tpu.memory_space<vmem>>, %arg5: memref<1000x128xf32, #tpu.memory_space<vmem>>, %arg6: memref<1000x16xf32, #tpu.memory_space<vmem>>) attributes {dimension_semantics = [#tpu.dimension_semantics<arbitrary>], iteration_bounds = array<i64: 10>, scalar_prefetch = 0 : i64, scratch_operands = 0 : i64, tpu.core_type = #tpu.core_type<tc>, window_params = [{transform_indices = @transform_0, window_bounds = array<i64: 1000, 128>}, {pipeline_mode = #tpu.pipeline_mode<synchronous>, transform_indices = @transform_1, window_bounds = array<i64: 128, 128>}, {transform_indices = @transform_2, window_bounds = array<i64: 1000, 128>}, {transform_indices = @transform_3, window_bounds = array<i64: 1000, 128>}, {transform_indices = @transform_4, window_bounds = array<i64: 1000, 128>}, {transform_indices = @transform_5, window_bounds = array<i64: 1000, 16>}]} {
    %get3A = arith.constant 0 : index
    %get3A_0 = arith.constant 0 : index
    %get3A_1 = vector.load %arg3[%get3A, %get3A_0] : memref<1000x128xf32, #tpu.memory_space<vmem>>, vector<1000x1xf32>
    %add3A = arith.constant 1.000000e+00 : f32
    %add3A_2 = vector.broadcast %add3A : f32 to vector<1000x1xf32>
    %add3A_3 = arith.addf %add3A_2, %get3A_1 : vector<1000x1xf32>
    %get3A_4 = arith.constant 0 : index
    %get3A_5 = arith.constant 0 : index
    %get3A_6 = vector.load %arg4[%get3A_4, %get3A_5] : memref<1000x128xf32, #tpu.memory_space<vmem>>, vector<1000x1xf32>
    %add3A_7 = arith.addf %add3A_3, %get3A_6 : vector<1000x1xf32>
    %rsqrt3A = math.rsqrt %add3A_7 : vector<1000x1xf32>
    %get3A_8 = arith.constant 0 : index
    %get3A_9 = arith.constant 0 : index
    %get3A_10 = vector.load %arg1[%get3A_8, %get3A_9] : memref<1000x128xf32, #tpu.memory_space<vmem>>, vector<1000x128xf32>
    %get3A_11 = arith.constant 0 : index
    %get3A_12 = arith.constant 0 : index
    %get3A_13 = vector.load %arg2[%get3A_11, %get3A_12] : memref<128x128xf32, #tpu.memory_space<vmem>>, vector<128x128xf32>
    %dot_general3A = arith.constant dense<0.000000e+00> : vector<1000x128xf32>
    %dot_general3A_14 = tpu.matmul %get3A_10, %get3A_13, %dot_general3A {dimension_numbers = #tpu.dot_dimension_numbers<[1], [0], [0], [1], [0, 0, 1, 1], [], []>, precision = #tpu.contract_precision<fp32>, transpose_lhs_hint = false} : vector<1000x128xf32>, vector<128x128xf32>, vector<1000x128xf32> -> vector<1000x128xf32>
    %mul3A = vector.broadcast %rsqrt3A : vector<1000x1xf32> to vector<1000x128xf32>
    %mul3A_15 = arith.mulf %dot_general3A_14, %mul3A : vector<1000x128xf32>
    %swap3A = arith.constant 0 : index
    %swap3A_16 = arith.constant 0 : index
    %swap3A_17 = vector.load %arg5[%swap3A, %swap3A_16] : memref<1000x128xf32, #tpu.memory_space<vmem>>, vector<1000x128xf32>
    tpu.vector_store %arg5[%swap3A, %swap3A_16], %mul3A_15 {strides = array<i32>} : memref<1000x128xf32, #tpu.memory_space<vmem>>, vector<1000x128xf32>,
    %broadcast_in_dim3A = vector.shape_cast %rsqrt3A : vector<1000x1xf32> to vector<1000x1xf32>
    %broadcast_in_dim3A_18 = vector.broadcast %broadcast_in_dim3A : vector<1000x1xf32> to vector<1000x16xf32>
    %swap3A_19 = arith.constant 0 : index
    %swap3A_20 = arith.constant 0 : index
    %swap3A_21 = vector.load %arg6[%swap3A_19, %swap3A_20] : memref<1000x16xf32, #tpu.memory_space<vmem>>, vector<1000x16xf32>
    tpu.vector_store %arg6[%swap3A_19, %swap3A_20], %broadcast_in_dim3A_18 {strides = array<i32>} : memref<1000x16xf32, #tpu.memory_space<vmem>>, vector<1000x16xf32>,
    return
  }
  func.func @transform_0(%arg0: i32) -> (i32, i32) {
    %c0_i32 = arith.constant 0 : i32
    %c0_i32_0 = arith.constant 0 : i32
    return %arg0, %c0_i32 : i32, i32
  }
  func.func @transform_1(%arg0: i32) -> (i32, i32) {
    %c0_i32 = arith.constant 0 : i32
    %c0_i32_0 = arith.constant 0 : i32
    %c0_i32_1 = arith.constant 0 : i32
    return %c0_i32, %c0_i32_0 : i32, i32
  }
  func.func @transform_2(%arg0: i32) -> (i32, i32) {
    %c0_i32 = arith.constant 0 : i32
    %c0_i32_0 = arith.constant 0 : i32
    return %arg0, %c0_i32 : i32, i32
  }
  func.func @transform_3(%arg0: i32) -> (i32, i32) {
    %add3A = arith.constant 10 : i32
    %add3A_0 = arith.addi %arg0, %add3A : i32
    %c0_i32 = arith.constant 0 : i32
    %c0_i32_1 = arith.constant 0 : i32
    return %add3A_0, %c0_i32 : i32, i32
  }
  func.func @transform_4(%arg0: i32) -> (i32, i32) {
    %c0_i32 = arith.constant 0 : i32
    %c0_i32_0 = arith.constant 0 : i32
    return %arg0, %c0_i32 : i32, i32
  }
  func.func @transform_5(%arg0: i32) -> (i32, i32) {
    %c0_i32 = arith.constant 0 : i32
    %c0_i32_0 = arith.constant 0 : i32
    return %arg0, %c0_i32 : i32, i32
  }
}

module attributes {stable_mosaic.version = 14 : i64} {
  func.func @_layer2_body(%arg0: i32, %arg1: memref<1000x128xf32, #tpu.memory_space<vmem>>, %arg2: memref<1000x128xf32, #tpu.memory_space<vmem>>, %arg3: memref<1000x128xf32, #tpu.memory_space<vmem>>, %arg4: memref<1000x16xf32, #tpu.memory_space<vmem>>, %arg5: memref<1x128xf32, #tpu.memory_space<vmem>>, %arg6: memref<128x128xf32, #tpu.memory_space<vmem>>, %arg7: memref<1000x128xf32, #tpu.memory_space<vmem>>) attributes {dimension_semantics = [#tpu.dimension_semantics<arbitrary>], iteration_bounds = array<i64: 10>, scalar_prefetch = 0 : i64, scratch_operands = 0 : i64, tpu.core_type = #tpu.core_type<tc>, window_params = [{transform_indices = @transform_0, window_bounds = array<i64: 1000, 128>}, {transform_indices = @transform_1, window_bounds = array<i64: 1000, 128>}, {transform_indices = @transform_2, window_bounds = array<i64: 1000, 128>}, {transform_indices = @transform_3, window_bounds = array<i64: 1000, 16>}, {pipeline_mode = #tpu.pipeline_mode<synchronous>, transform_indices = @transform_4, window_bounds = array<i64: 1, 128>}, {pipeline_mode = #tpu.pipeline_mode<synchronous>, transform_indices = @transform_5, window_bounds = array<i64: 128, 128>}, {transform_indices = @transform_6, window_bounds = array<i64: 1000, 128>}]} {
    %get3A = arith.constant 0 : index
    %get3A_0 = arith.constant 0 : index
    %get3A_1 = vector.load %arg4[%get3A, %get3A_0] : memref<1000x16xf32, #tpu.memory_space<vmem>>, vector<1000x1xf32>
    %get3A_2 = arith.constant 0 : index
    %get3A_3 = arith.constant 0 : index
    %get3A_4 = vector.load %arg1[%get3A_2, %get3A_3] : memref<1000x128xf32, #tpu.memory_space<vmem>>, vector<1000x128xf32>
    %get3A_5 = arith.constant 0 : index
    %get3A_6 = arith.constant 0 : index
    %get3A_7 = vector.load %arg2[%get3A_5, %get3A_6] : memref<1000x128xf32, #tpu.memory_space<vmem>>, vector<1000x128xf32>
    %add3A = arith.addf %get3A_4, %get3A_7 : vector<1000x128xf32>
    %get3A_8 = arith.constant 0 : index
    %get3A_9 = arith.constant 0 : index
    %get3A_10 = vector.load %arg3[%get3A_8, %get3A_9] : memref<1000x128xf32, #tpu.memory_space<vmem>>, vector<1000x128xf32>
    %add3A_11 = arith.addf %add3A, %get3A_10 : vector<1000x128xf32>
    %mul3A = vector.broadcast %get3A_1 : vector<1000x1xf32> to vector<1000x128xf32>
    %mul3A_12 = arith.mulf %add3A_11, %mul3A : vector<1000x128xf32>
    %get3A_13 = arith.constant 0 : index
    %get3A_14 = arith.constant 0 : index
    %get3A_15 = vector.load %arg5[%get3A_13, %get3A_14] : memref<1x128xf32, #tpu.memory_space<vmem>>, vector<1x128xf32>
    %add3A_16 = vector.broadcast %get3A_15 : vector<1x128xf32> to vector<1000x128xf32>
    %add3A_17 = arith.addf %mul3A_12, %add3A_16 : vector<1000x128xf32>
    %max3A = arith.constant 0.000000e+00 : f32
    %max3A_18 = vector.broadcast %max3A : f32 to vector<1000x128xf32>
    %max3A_19 = arith.maximumf %add3A_17, %max3A_18 : vector<1000x128xf32>
    %get3A_20 = arith.constant 0 : index
    %get3A_21 = arith.constant 0 : index
    %get3A_22 = vector.load %arg6[%get3A_20, %get3A_21] : memref<128x128xf32, #tpu.memory_space<vmem>>, vector<128x128xf32>
    %dot_general3A = arith.constant dense<0.000000e+00> : vector<1000x128xf32>
    %dot_general3A_23 = tpu.matmul %max3A_19, %get3A_22, %dot_general3A {dimension_numbers = #tpu.dot_dimension_numbers<[1], [0], [0], [1], [0, 0, 1, 1], [], []>, precision = #tpu.contract_precision<fp32>, transpose_lhs_hint = false} : vector<1000x128xf32>, vector<128x128xf32>, vector<1000x128xf32> -> vector<1000x128xf32>
    %mul3A_24 = vector.broadcast %get3A_1 : vector<1000x1xf32> to vector<1000x128xf32>
    %mul3A_25 = arith.mulf %dot_general3A_23, %mul3A_24 : vector<1000x128xf32>
    %swap3A = arith.constant 0 : index
    %swap3A_26 = arith.constant 0 : index
    %swap3A_27 = vector.load %arg7[%swap3A, %swap3A_26] : memref<1000x128xf32, #tpu.memory_space<vmem>>, vector<1000x128xf32>
    tpu.vector_store %arg7[%swap3A, %swap3A_26], %mul3A_25 {strides = array<i32>} : memref<1000x128xf32, #tpu.memory_space<vmem>>, vector<1000x128xf32>,
    return
  }
  func.func @transform_0(%arg0: i32) -> (i32, i32) {
    %c0_i32 = arith.constant 0 : i32
    %c0_i32_0 = arith.constant 0 : i32
    return %arg0, %c0_i32 : i32, i32
  }
  func.func @transform_1(%arg0: i32) -> (i32, i32) {
    %add3A = arith.constant 10 : i32
    %add3A_0 = arith.addi %arg0, %add3A : i32
    %c0_i32 = arith.constant 0 : i32
    %c0_i32_1 = arith.constant 0 : i32
    return %add3A_0, %c0_i32 : i32, i32
  }
  func.func @transform_2(%arg0: i32) -> (i32, i32) {
    %c0_i32 = arith.constant 0 : i32
    %c0_i32_0 = arith.constant 0 : i32
    return %arg0, %c0_i32 : i32, i32
  }
  func.func @transform_3(%arg0: i32) -> (i32, i32) {
    %c0_i32 = arith.constant 0 : i32
    %c0_i32_0 = arith.constant 0 : i32
    return %arg0, %c0_i32 : i32, i32
  }
  func.func @transform_4(%arg0: i32) -> (i32, i32) {
    %c0_i32 = arith.constant 0 : i32
    %c0_i32_0 = arith.constant 0 : i32
    %c0_i32_1 = arith.constant 0 : i32
    return %c0_i32, %c0_i32_0 : i32, i32
  }
  func.func @transform_5(%arg0: i32) -> (i32, i32) {
    %c0_i32 = arith.constant 0 : i32
    %c0_i32_0 = arith.constant 0 : i32
    %c0_i32_1 = arith.constant 0 : i32
    return %c0_i32, %c0_i32_0 : i32, i32
  }
  func.func @transform_6(%arg0: i32) -> (i32, i32) {
    %c0_i32 = arith.constant 0 : i32
    %c0_i32_0 = arith.constant 0 : i32
    return %arg0, %c0_i32 : i32, i32
  }
}

module attributes {stable_mosaic.version = 14 : i64} {
  func.func @_final_body(%arg0: i32, %arg1: memref<1000x128xf32, #tpu.memory_space<vmem>>, %arg2: memref<1000x128xf32, #tpu.memory_space<vmem>>, %arg3: memref<1000x128xf32, #tpu.memory_space<vmem>>, %arg4: memref<1000x16xf32, #tpu.memory_space<vmem>>, %arg5: memref<1x64xf32, #tpu.memory_space<vmem>>, %arg6: memref<1x64xf32, #tpu.memory_space<vmem>>, %arg7: memref<1000x64xf32, #tpu.memory_space<vmem>>, %arg8: memref<1000x64xf32, #tpu.memory_space<vmem>>) attributes {dimension_semantics = [#tpu.dimension_semantics<arbitrary>], iteration_bounds = array<i64: 10>, scalar_prefetch = 0 : i64, scratch_operands = 0 : i64, tpu.core_type = #tpu.core_type<tc>, window_params = [{transform_indices = @transform_0, window_bounds = array<i64: 1000, 128>}, {transform_indices = @transform_1, window_bounds = array<i64: 1000, 128>}, {transform_indices = @transform_2, window_bounds = array<i64: 1000, 128>}, {transform_indices = @transform_3, window_bounds = array<i64: 1000, 16>}, {pipeline_mode = #tpu.pipeline_mode<synchronous>, transform_indices = @transform_4, window_bounds = array<i64: 1, 64>}, {pipeline_mode = #tpu.pipeline_mode<synchronous>, transform_indices = @transform_5, window_bounds = array<i64: 1, 64>}, {transform_indices = @transform_6, window_bounds = array<i64: 1000, 64>}, {transform_indices = @transform_7, window_bounds = array<i64: 1000, 64>}]} {
    %get3A = arith.constant 0 : index
    %get3A_0 = arith.constant 0 : index
    %get3A_1 = vector.load %arg4[%get3A, %get3A_0] : memref<1000x16xf32, #tpu.memory_space<vmem>>, vector<1000x1xf32>
    %get3A_2 = arith.constant 0 : index
    %get3A_3 = arith.constant 0 : index
    %get3A_4 = vector.load %arg1[%get3A_2, %get3A_3] : memref<1000x128xf32, #tpu.memory_space<vmem>>, vector<1000x128xf32>
    %get3A_5 = arith.constant 0 : index
    %get3A_6 = arith.constant 0 : index
    %get3A_7 = vector.load %arg2[%get3A_5, %get3A_6] : memref<1000x128xf32, #tpu.memory_space<vmem>>, vector<1000x128xf32>
    %add3A = arith.addf %get3A_4, %get3A_7 : vector<1000x128xf32>
    %get3A_8 = arith.constant 0 : index
    %get3A_9 = arith.constant 0 : index
    %get3A_10 = vector.load %arg3[%get3A_8, %get3A_9] : memref<1000x128xf32, #tpu.memory_space<vmem>>, vector<1000x128xf32>
    %add3A_11 = arith.addf %add3A, %get3A_10 : vector<1000x128xf32>
    %mul3A = vector.broadcast %get3A_1 : vector<1000x1xf32> to vector<1000x128xf32>
    %mul3A_12 = arith.mulf %add3A_11, %mul3A : vector<1000x128xf32>
    %slice3A = vector.extract_strided_slice %mul3A_12 {offsets = [0, 0], sizes = [1000, 64], strides = [1, 1]} : vector<1000x128xf32> to vector<1000x64xf32>
    %get3A_13 = arith.constant 0 : index
    %get3A_14 = arith.constant 0 : index
    %get3A_15 = vector.load %arg5[%get3A_13, %get3A_14] : memref<1x64xf32, #tpu.memory_space<vmem>>, vector<1x64xf32>
    %add3A_16 = vector.broadcast %get3A_15 : vector<1x64xf32> to vector<1000x64xf32>
    %add3A_17 = arith.addf %slice3A, %add3A_16 : vector<1000x64xf32>
    %swap3A = arith.constant 0 : index
    %swap3A_18 = arith.constant 0 : index
    %swap3A_19 = vector.load %arg7[%swap3A, %swap3A_18] : memref<1000x64xf32, #tpu.memory_space<vmem>>, vector<1000x64xf32>
    tpu.vector_store %arg7[%swap3A, %swap3A_18], %add3A_17 {strides = array<i32>} : memref<1000x64xf32, #tpu.memory_space<vmem>>, vector<1000x64xf32>,
    %slice3A_20 = vector.extract_strided_slice %mul3A_12 {offsets = [0, 64], sizes = [1000, 64], strides = [1, 1]} : vector<1000x128xf32> to vector<1000x64xf32>
    %get3A_21 = arith.constant 0 : index
    %get3A_22 = arith.constant 0 : index
    %get3A_23 = vector.load %arg6[%get3A_21, %get3A_22] : memref<1x64xf32, #tpu.memory_space<vmem>>, vector<1x64xf32>
    %add3A_24 = vector.broadcast %get3A_23 : vector<1x64xf32> to vector<1000x64xf32>
    %add3A_25 = arith.addf %slice3A_20, %add3A_24 : vector<1000x64xf32>
    %swap3A_26 = arith.constant 0 : index
    %swap3A_27 = arith.constant 0 : index
    %swap3A_28 = vector.load %arg8[%swap3A_26, %swap3A_27] : memref<1000x64xf32, #tpu.memory_space<vmem>>, vector<1000x64xf32>
    tpu.vector_store %arg8[%swap3A_26, %swap3A_27], %add3A_25 {strides = array<i32>} : memref<1000x64xf32, #tpu.memory_space<vmem>>, vector<1000x64xf32>,
    return
  }
  func.func @transform_0(%arg0: i32) -> (i32, i32) {
    %c0_i32 = arith.constant 0 : i32
    %c0_i32_0 = arith.constant 0 : i32
    return %arg0, %c0_i32 : i32, i32
  }
  func.func @transform_1(%arg0: i32) -> (i32, i32) {
    %add3A = arith.constant 10 : i32
    %add3A_0 = arith.addi %arg0, %add3A : i32
    %c0_i32 = arith.constant 0 : i32
    %c0_i32_1 = arith.constant 0 : i32
    return %add3A_0, %c0_i32 : i32, i32
  }
  func.func @transform_2(%arg0: i32) -> (i32, i32) {
    %c0_i32 = arith.constant 0 : i32
    %c0_i32_0 = arith.constant 0 : i32
    return %arg0, %c0_i32 : i32, i32
  }
  func.func @transform_3(%arg0: i32) -> (i32, i32) {
    %c0_i32 = arith.constant 0 : i32
    %c0_i32_0 = arith.constant 0 : i32
    return %arg0, %c0_i32 : i32, i32
  }
  func.func @transform_4(%arg0: i32) -> (i32, i32) {
    %c0_i32 = arith.constant 0 : i32
    %c0_i32_0 = arith.constant 0 : i32
    %c0_i32_1 = arith.constant 0 : i32
    return %c0_i32, %c0_i32_0 : i32, i32
  }
  func.func @transform_5(%arg0: i32) -> (i32, i32) {
    %c0_i32 = arith.constant 0 : i32
    %c0_i32_0 = arith.constant 0 : i32
    %c0_i32_1 = arith.constant 0 : i32
    return %c0_i32, %c0_i32_0 : i32, i32
  }
  func.func @transform_6(%arg0: i32) -> (i32, i32) {
    %c0_i32 = arith.constant 0 : i32
    %c0_i32_0 = arith.constant 0 : i32
    return %arg0, %c0_i32 : i32, i32
  }
  func.func @transform_7(%arg0: i32) -> (i32, i32) {
    %c0_i32 = arith.constant 0 : i32
    %c0_i32_0 = arith.constant 0 : i32
    return %arg0, %c0_i32 : i32, i32
  }
}

</mosaic_0001>

<sc_bundles>
// kernel: kernel.11.cloned.1.call-start
scs
__scs_entry_jumppad:
0x0: {  	(pc) =	sbr.rel $0x88, $3  }
0x1: {  	(tag) =	ssettag $0x0;
	lr =	simm.s32 $0x1  }
0x2: {  	[smem:$0x3F99] =	sst lr;
	_ =	strace $0xD0000000  }
0x3: {  	_ = 	snop  }
0x4: {  	_ = 	snop  }
0x5: {  	_ = 	snop  }
0x6: {  	_ = 	snop  }
0x7: {  	_ = 	snop  }
__scs_overlays_trampoline_lowered:
0x8: {  	[smem:$0x3FA8] =	sst s0  }
0x9: {  	[smem:$0x3FA9] =	sst s1  }
0xa: {  	[smem:$0x3FAA] =	sst s2  }
0xb: {  	[smem:$0x3FAB] =	sst s3  }
0xc: {  	[smem:$0x3FAC] =	sst s4  }
0xd: {  	[smem:$0x3FAD] =	sst s5  }
0xe: {  	[smem:$0x3FAE] =	sst s6  }
0xf: {  	[smem:$0x3FAF] =	sst s7  }
0x10: {  	[smem:$0x3FB0] =	sst s8  }
0x11: {  	[smem:$0x3FB1] =	sst s9;
	s0 =	simm.s32 @!p0 $0x0  }
0x12: {  	s1 =	sld [smem:$0x3F97];
	s0 =	simm.s32 @p0 $0x1  }
0x13: {  	[smem:$0x3FB2] =	sst s0;
	s0 =	simm.s32 @!p1 $0x0  }
0x14: {  	s2 =	sld [smem:$0x3F96];
	s0 =	simm.s32 @p1 $0x1  }
0x15: {  	[smem:$0x3FB3] =	sst s0;
	s0 =	simm.s32 @!p2 $0x0  }
0x16: {  	s3 =	sld [smem:$0x3FDB];
	s0 =	simm.s32 @p2 $0x1  }
0x17: {  	s4 =	simm.s32 $0x1BF5;
	[smem:$0x3FB5] =	sst s0  }
0x18: {  	s0 =	sld [smem:$0x3F98];
	_ =	swait.ge [sflag:s4], $0x0  }
0x19: {  	s7 =	sld [smem:$0x3F99]  }
0x1a: {  	s8 =	sadd.s32 $0xFFFFE003, lr  }
0x1b: {  	s9 =	sadd.s32 $0xFFFFFEF7, lr;
	s5 =	simm.s32 $0xFFFFFFFF;
	p2 =	slt.u32 s8, $0xFFFFF086  }
0x1c: {  	p1 =	slt.u32 s9, $0xF7A;
	s5 =	simm.s32 @!p2 $0x0  }
0x1d: {  	s5 =	simm.s32 @p1 $0x1;
	p0 =	seq.s32 s7, s2  }
0x1e: {  	s7 =	smul.u32 @!p0 $0xF7A, s2;
	p2 =	seq.s32 @!p0 s5, $0x0  }
0x1f: {  	s9 =	smul.u32 $0xF7A, s1;
	s8 =	simm.s32 @!p0 $0x1BF5;
	p2 =	por !p2, p0  }
0x20: {  	[sflag:s8] =	ssyncset.s32 @!p0 $0xFFFFF086;
	s6 =	sadd.s32 @!p0 s3, s7;
	s7 =	simm.s32 @!p0 $0x108  }
0x21: {  	s3 =	sadd.s32 s3, s9;
	s6 =	sadd.s32 @!p0 $0x88, s6;
	s7 =	simm.s32 @p2 $0x1082  }
0x22: {  	[simem:s7], [sflag:s8] =	dma.local @!p0 [hbm:s6], $0xF7A  }
0x23: {  	s9 =	sor.u32 $0xD0000000, s2;
	s6 =	simm.s32 $0x108;
	_ =	swait.ge @!p0 [sflag:s8], $0x0  }
0x24: {  	s3 =	sadd.s32 $0x88, s3;
	s6 =	simm.s32 @!p1 $0x1082;
	[sflag:s4] =	ssyncset.s32 $0xFFFFF086  }
0x25: {  	[simem:s6], [sflag:s4] =	dma.local [hbm:s3], $0xF7A  }
0x26: {  	[smem:$0x3F99] =	sst s1;
	(tag) =	ssettag s2;
	_ =	strace s9  }
0x27: {  	s1 =	sld [smem:$0x3FA9]  }
0x28: {  	s2 =	sld [smem:$0x3FAA]  }
0x29: {  	s4 =	sld [smem:$0x3FAC]  }
0x2a: {  	p0 =	seq.s32 s5, $0x0;
	s5 =	sld [smem:$0x3FAD]  }
0x2b: {  	s6 =	sld [smem:$0x3FAE]  }
0x2c: {  	s7 =	sld [smem:$0x3FAF]  }
0x2d: {  	s3 =	simm.s32 $0x108;
	s8 =	sld [smem:$0x3FB0]  }
0x2e: {  	s3 =	simm.s32 @!p0 $0x1082;
	s9 =	sld [smem:$0x3FB1]  }
0x2f: {  	lr =	sadd.s32 s0, s3;
	s0 =	sld [smem:$0x3FA8]  }
0x30: {  	s3 =	sld [smem:$0x3FAB]  }
0x31: {  	[smem:$0x3FB4] =	sst s10  }
0x32: {  	s10 =	sld [smem:$0x3FB2];
	_ =	sdelay $0x3  }
0x33: {  	p0 =	seq.s32 s10, $0x1;
	s10 =	sld [smem:$0x3FB4];
	_ =	sdelay $0x3  }
0x34: {  	[smem:$0x3FB4] =	sst s10  }
0x35: {  	s10 =	sld [smem:$0x3FB3];
	_ =	sdelay $0x3  }
0x36: {  	p1 =	seq.s32 s10, $0x1;
	s10 =	sld [smem:$0x3FB4];
	_ =	sdelay $0x3  }
0x37: {  	[smem:$0x3FB4] =	sst s10  }
0x38: {  	s10 =	sld [smem:$0x3FB5]  }
0x39: {  	_ = 	snop;
	(pc) =	sbr.ind lr, $3  }
0x3a: {  	_ = 	snop  }
0x3b: {  	_ = 	snop  }
0x3c: {  	p2 =	seq.s32 s10, $0x1;
	s10 =	sld [smem:$0x3FB4]  }
0x3d: {  	_ =	shalt  }
0x3e: {  	_ =	shalt  }
0x3f: {  	_ =	shalt  }
0x40: {  	_ =	shalt  }
0x41: {  	_ =	shalt  }
0x42: {  	_ =	shalt  }
0x43: {  	_ =	shalt  }
0x44: {  	_ =	shalt  }
0x45: {  	_ =	shalt  }
0x46: {  	_ =	shalt  }
0x47: {  	_ =	shalt  }
0x48: {  	_ =	shalt  }
0x49: {  	_ =	shalt  }
0x4a: {  	_ =	shalt  }
0x4b: {  	_ =	shalt  }
0x4c: {  	_ =	shalt  }
0x4d: {  	_ =	shalt  }
0x4e: {  	_ =	shalt  }
0x4f: {  	_ =	shalt  }
0x50: {  	_ =	shalt  }
0x51: {  	_ =	shalt  }
0x52: {  	_ =	shalt  }
0x53: {  	_ =	shalt  }
0x54: {  	_ =	shalt  }
0x55: {  	_ =	shalt  }
0x56: {  	_ =	shalt  }
0x57: {  	_ =	shalt  }
0x58: {  	_ =	shalt  }
0x59: {  	_ =	shalt  }
0x5a: {  	_ =	shalt  }
0x5b: {  	_ =	shalt  }
0x5c: {  	_ =	shalt  }
0x5d: {  	_ =	shalt  }
0x5e: {  	_ =	shalt  }
0x5f: {  	_ =	shalt  }
0x60: {  	_ =	shalt  }
0x61: {  	_ =	shalt  }
0x62: {  	_ =	shalt  }
0x63: {  	_ =	shalt  }
0x64: {  	_ =	shalt  }
0x65: {  	_ =	shalt  }
0x66: {  	_ =	shalt  }
0x67: {  	_ =	shalt  }
0x68: {  	_ =	shalt  }
0x69: {  	_ =	shalt  }
0x6a: {  	_ =	shalt  }
0x6b: {  	_ =	shalt  }
0x6c: {  	_ =	shalt  }
0x6d: {  	_ =	shalt  }
0x6e: {  	_ =	shalt  }
0x6f: {  	_ =	shalt  }
0x70: {  	_ =	shalt  }
0x71: {  	_ =	shalt  }
0x72: {  	_ =	shalt  }
0x73: {  	_ =	shalt  }
0x74: {  	_ =	shalt  }
0x75: {  	_ =	shalt  }
0x76: {  	_ =	shalt  }
0x77: {  	_ =	shalt  }
0x78: {  	_ =	shalt  }
0x79: {  	_ =	shalt  }
0x7a: {  	_ =	shalt  }
0x7b: {  	_ =	shalt  }
0x7c: {  	_ =	shalt  }
0x7d: {  	_ =	shalt  }
0x7e: {  	_ =	shalt  }
0x7f: {  	_ =	shalt  }
0x80: {  	_ =	shalt  }
0x81: {  	_ =	shalt  }
0x82: {  	_ =	shalt  }
0x83: {  	_ =	shalt  }
0x84: {  	_ =	shalt  }
0x85: {  	_ =	shalt  }
0x86: {  	_ =	shalt  }
0x87: {  	_ =	shalt  }
.Lfunc_end0:
.L_simem_size_0:
called_computation.1_lowered:
.L_overlay_start_0:
0x88: {  	s2 =	sld [smem:$0x3FD9]  }
0x89: {  	s3 =	sld [smem:$0x3FFE];
	_ =	sdelay $0x1  }
0x8a: {  	s1 =	srdreg.scid  }
0x8b: {  	s0 =	sand.u32 $0x1, s1  }
0x8c: {  	s14 =	sshll.u32 s0, $0xA;
	s2 =	sadd.s32 s3, s2  }
0x8d: {  	s2 =	sadd.s32 s2, s14  }
0x8e: {  	[smem:$0x3FC0] =	sst s2  }
0x8f: {  	_ = 	snop  }
0x90: {  	s2 =	sld [smem:$0x3FD0];
	_ =	sdelay $0x2  }
0x91: {  	s15 =	simm.s32 $0xA;
	s4 =	simm.s32 $0x10  }
0x92: {  	[smem:s4], [sflag:s15] =	dma.local [hbm:s2], $0x1  }
0x93: {  	_ =	swait.eq [sflag:s15], $0x1  }
0x94: {  	[sflag:s15] =	ssyncset.done $0x0  }
0x95: {  	s16 =	sld [smem:$0x10];
	[sflag:s15] =	ssyncadd.s32 $0xFFFFFFFF  }
0x96: {  	s17 =	sld [smem:$0x11];
	(tm) =	ssettm $0x1  }
0x97: {  	s18 =	sld [smem:$0x3FFB];
	_ =	sdelay $0x3  }
0x98: {  	_ =	strace s18  }
0x99: {  	s4 =	sld [smem:$0x3FFC];
	_ =	sdelay $0x3  }
0x9a: {  	_ =	strace s4  }
0x9b: {  	s4 =	sld [smem:$0x3FFD];
	_ =	sdelay $0x3  }
0x9c: {  	_ =	strace s4  }
0x9d: {  	_ =	strace $0x8FFFFFFF  }
0x9e: {  	s19 =	sld [smem:$0x3FDB];
	_ =	sdelay $0x1  }
0x9f: {  	s5 =	simm.s32 $_scs_section_size  }
0xa0: {  	s6 =	simm.s32 $_size__tile_overlayer_lowered;
	s7 =	simm.s32 $_tile_overlayer_lowered  }
0xa1: {  	s22 =	simm.s32 $0x1BFF;
	s21 =	sshll.u32 s7, $0x1;
	s4 =	sadd.s32 s5, s19  }
0xa2: {  	s8 =	simm.s32 $0x0;
	s20 =	sshll.u32 s6, $0x1;
	s6 =	sadd.s32 s21, s4  }
0xa3: {  	[timem:s8], [sflag:s22] =	dma.local [hbm:s6], s20  }
0xa4: {  	_ =	swait.ge [sflag:s22], s20  }
0xa5: {  	s5 =	ssub.s32 $0x0, s20;
	[sflag:s22] =	ssyncset.done $0x0  }
0xa6: {  	[sflag:s22] =	ssyncadd.s32 s5;
	_ =	sdelay $0x1  }
0xa7: {  	s23 =	simm.s32 $0x1B8B  }
0xa8: {  	_ =	swait.ge [sflag:s23], $0x1  }
0xa9: {  	[sflag:s23] =	ssyncset.done $0x0  }
0xaa: {  	s25 =	simm.s32 $0x1B8E;
	s24 =	sld [smem:$0x3FFE];
	[sflag:s23] =	ssyncadd.s32 $0xFFFFFFFF  }
0xab: {  	s26 =	simm.s32 $execute0_lowered;
	[smem:$0x3FD2] =	sst s25  }
0xac: {  	s6 =	sshll.u32 s26, $0x1;
	_ =	strace $0x80000049;
	[dreg:$0x1] =	wrdreg $0xFFFFFFFF  }
0xad: {  	s28 =	simm.s32 $_size_execute0_lowered;
	s4 =	sadd.s32 s4, s6;
	[dreg:$0x0] =	wrdreg $0x0  }
0xae: {  	s6 =	sshll.u32 s28, $0x1;
	[dreg:$0x2] =	wrdreg s4  }
0xaf: {  	[dreg:$0x3] =	wrdreg s6  }
0xb0: {  	[dreg:$0x4] =	wrdreg $0xC0  }
0xb1: {  	_ =	task [dreg:s8], $0x5FFFF  }
0xb2: {  	[dreg:$0x1] =	wrdreg $0xFFFFFFFF  }
0xb3: {  	[dreg:$0x0] =	wrdreg $0x60  }
0xb4: {  	[dreg:$0x2] =	wrdreg s24  }
0xb5: {  	[dreg:$0x3] =	wrdreg s16  }
0xb6: {  	[dreg:$0x4] =	wrdreg s17  }
0xb7: {  	[dreg:$0x5] =	wrdreg $0x82000  }
0xb8: {  	[dreg:$0x6] =	wrdreg $0x9  }
0xb9: {  	_ =	task.clear_ibuf [dreg:s8], $0x7FFFF;
	_ =	strace $0x90000049  }
0xba: {  	s29 =	simm.s32 $0x9;
	_ =	strace $0x8000004B  }
0xbb: {  	_ =	swait.ge [sflag:s29], $0x1  }
0xbc: {  	[sflag:s29] =	ssyncadd.s32 $0xFFFFFFFF  }
0xbd: {  	_ =	strace $0x9000004B  }
0xbe: {  	_ =	sfence  }
0xbf: {  	s30 =	sld [smem:$0x0];
	_ =	sdelay $0x2  }
0xc0: {  	s31 =	sshll.u32 s1, $0xD;
	s1 =	sshrl.u32 s1, $0x2  }
0xc1: {  	s3 =	sand.u32 $0x4000, s31;
	s1 =	sadd.s32 s1, s30  }
0xc2: {  	s0 =	sor.u32 s3, s0;
	s1 =	sshll.u32 s1, $0x11  }
0xc3: {  	s0 =	sor.u32 s1, s0  }
0xc4: {  	s0 =	sadd.s32 $0x8F2B, s0  }
0xc5: {  	[sflag:s0] =	ssyncadd.remote.s32 $0x1  }
0xc6: {  	_ =	sfence.sel $0xFFFF  }
0xc7: {  	[dreg:$0x0] =	wrdreg $0xFFFFFFFF;
	(pc) =	sbr.abs _section_cstart, $3  }
0xc8: {  	[dreg:$0x1] =	wrdreg $0xFFFFFFFF  }
0xc9: {  	_ =	task.clear_ibuf [dreg:s8], $0x2FFFF;
	_ =	strace $0x9FFFFFFF  }
0xca: {  	(tm) =	ssettm $0x7FFFFFFF  }
0xcb: {  	_ =	shalt  }
tec
execute0_lowered:
.L_overlay_start_1:
0x0: {  	(tag) =	ssettag $0x1  }
0x1: {  	s0 =	rddreg [dreg:$0x0]  }
0x2: {  	s1 =	rddreg [dreg:$0x1]  }
0x3: {  	s5 =	rddreg [dreg:$0x2]  }
0x4: {  	s2 =	rddreg [dreg:$0x3]  }
0x5: {  	s3 =	simm.s32 $0x0;
	s22 =	stileid.u32;
	s4 =	srdreg.scid  }
0x6: {  	s28 =	simm.s32 $0x1;
	s29 =	simm.s32 $0x4200;
	s30 =	simm.s32 $0x4  }
0x7: {  	s31 =	simm.s32 $0x0;
	[smem:$0x7FF] =	sst s3;
	s6 =	smul.u32 $0x2700, s22  }
0x8: {  	s8 =	sand.u32 $0x1, s4;
	s4 =	sadd.s32 $0x2A400, s0;
	s9 =	smul.u32 $0x4E000, s22  }
0x9: {  	s12 =	sadd.s32 $0x51600, s0;
	s17 =	smul.u32 $0x28, s22;
	s19 =	sshll.u32 s22, $0x6  }
0xa: {  	s20 =	sadd.s32 $0x138000, s2;
	_ =	strace $0x8000004A;
	s7 =	ssub.s32 $0x2, s8  }
0xb: {  	p0 =	seq.s32 s8, $0x0;
	[dreg:$0x7] =	wrdreg s20;
	s14 =	smul.u32 $0x138800, s8  }
0xc: {  	s8 =	smul.u32 $0x27100, s8;
	s10 =	sadd.s32 s6, s0;
	s11 =	sshrl.u32 s7, $0x1  }
0xd: {  	s16 =	sshrl.u32 s9, $0x2;
	s9 =	sadd.s32 $0x780, s17;
	s0 =	sadd.s32 $0x2A200, s0  }
0xe: {  	s13 =	ssub.s32 s7, s11;
	s7 =	sadd.s32 s16, s2;
	s18 =	sadd.s32 $0x3200, s10  }
0xf: {  	s10 =	smul.u32 $0x78, s22;
	[dreg:$0x8] =	wrdreg s0;
	s0 =	simm.s32 $0x78  }
0x10: {  	s24 =	sshrl.u32 s14, $0x3;
	s6 =	sadd.s32 s6, s8;
	[dreg:$0x5] =	wrdreg s7  }
0x11: {  	[dreg:$0x6] =	wrdreg s18;
	s7 =	sor.u32 $0x1C03, s19;
	s6 =	sadd.s32 s12, s6  }
0x12: {  	s0 =	simm.s32 @!p0 $0x28;
	s26 =	smax.u32 s13, $0x1;
	[dreg:$0xb] =	wrdreg s6  }
0x13: {  	s9 =	smov.u32 @p0 s10;
	s25 =	sshrl.u32 s0, $0x1;
	[dreg:$0xd] =	wrdreg s26  }
0x14: {  	s17 =	sadd.s32 $0xFFFFFFFE, s0;
	s18 =	sadd.s32 $0xFFFFFFFD, s0;
	p0 =	sne.s32 s22, $0xF  }
0x15: {  	s22 =	simm.s32 $0x3;
	s26 =	simm.s32 $0x180;
	s9 =	sshll.u32 s9, $0x4  }
0x16: {  	s10 =	sadd.s32 s1, s9;
	s21 =	sadd.s32 s5, s9;
	s9 =	sor.u32 $0x10, s9  }
0x17: {  	s19 =	sadd.s32 $0xFFFFFFFF, s25;
	s25 =	simm.s32 $0x100;
	s1 =	sadd.s32 s1, s9  }
0x18: {  	s23 =	sadd.s32 s5, s9;
	s16 =	smov.u32 s21;
	s20 =	sadd.s32 $0x30, s21  }
0x19: {  	s15 =	smov.u32 s10;
	[dreg:$0x9] =	wrdreg s1;
	s1 =	sadd.s32 s12, s24  }
0x1a: {  	s21 =	sadd.s32 $0x30, s10;
	[dreg:$0xa] =	wrdreg s23;
	s1 =	sadd.s32 $0x27000, s1  }
0x1b: {  	s23 =	simm.s32 $0x80;
	s24 =	simm.s32 $0x200;
	[dreg:$0xc] =	wrdreg s1  }
.LBB2_1:
0x1c: {  	s0 =	rddreg [dreg:$0x5]  }
0x1d: {  	s13 =	rddreg [dreg:$0x6];
	s1 =	sshrl.u32 s0, $0x3  }
0x1e: {  	[spmem:s1], [sflag:s7] =	dma.local [hbm:s13], $0x2700  }
0x1f: {  	_ =	swait.ge [sflag:s22], $0x2700  }
0x20: {  	[sflag:s22] =	ssyncset.done $0x0;
	s0 =	rddreg [dreg:$0x7]  }
0x21: {  	[sflag:s22] =	ssyncadd.s32 $0xFFFFD900;
	s5 =	sshrl.u32 @!p0 s0, $0x3;
	s0 =	rddreg [dreg:$0x8]  }
0x22: {  	[spmem:s5], [sflag:s7] =	dma.local @!p0 [hbm:s0], $0x100  }
0x23: {  	s0 =	simm.s32 @!p0 $0x3  }
0x24: {  	_ =	swait.ge @!p0 [sflag:s0], $0x100  }
0x25: {  	[sflag:s0] =	ssyncset.done @!p0 $0x0  }
0x26: {  	[sflag:s0] =	ssyncadd.s32 @!p0 $0xFFFFFF00  }
0x27: {  	[bflag:$0x0] =	sbarrier.arrive $0xFFFF  }
0x28: {  	[tilespmem:s3], [sflag:$0x3] =	stream.linear.gather [hbm4b:s15+s3], $0x80, $0x38;
	[tilespmem:$0x1BAC0] =	vst v63  }
0x29: {  	_ =	swait.ge [sflag:s22], $0x80  }
0x2a: {  	[sflag:s22] =	ssyncset.done $0x0  }
0x2b: {  	[sflag:s22] =	ssyncadd.s32 $0xFFFFFF80  }
0x2c: {  	[tilespmem:s23], [sflag:$0x3] =	stream.linear.gather [hbm4b:s16+s3], $0x80, $0x38;
	[tilespmem:$0x1BAC0] =	vst v63  }
0x2d: {  	_ =	swait.ge [sflag:s22], $0x80  }
0x2e: {  	[sflag:s22] =	ssyncset.done $0x0  }
0x2f: {  	[sflag:s22] =	ssyncadd.s32 $0xFFFFFF80  }
0x30: {  	[tilespmem:s24], [sflag:$0x1] =	stream.indirect.gather [hbm4b:s4+s23], $0x80, s3, s23, $0xb8;
	[tilespmem:$0x1BAC0] =	vst v63  }
0x31: {  	s6 =	rddreg [dreg:$0x9]  }
0x32: {  	[tilespmem:s25], [sflag:$0x3] =	stream.linear.gather [hbm4b:s6+s3], $0x80, $0x38;
	[tilespmem:$0x1BAC0] =	vst v63  }
0x33: {  	_ =	swait.ge [sflag:s22], $0x80  }
0x34: {  	[sflag:s22] =	ssyncset.done $0x0  }
0x35: {  	s14 =	rddreg [dreg:$0xa];
	[sflag:s22] =	ssyncadd.s32 $0xFFFFFF80  }
0x36: {  	[tilespmem:s26], [sflag:$0x3] =	stream.linear.gather [hbm4b:s14+s3], $0x80, $0x38;
	[tilespmem:$0x1BAC0] =	vst v63  }
0x37: {  	_ =	swait.ge [sflag:s22], $0x80  }
0x38: {  	[sflag:s22] =	ssyncset.done $0x0  }
0x39: {  	[sflag:s22] =	ssyncadd.s32 $0xFFFFFF80  }
0x3a: {  	_ =	swait.ge [sflag:s28], $0x4000  }
0x3b: {  	[sflag:s28] =	ssyncset.done $0x0  }
0x3c: {  	[sflag:s28] =	ssyncadd.s32 $0xFFFFC000  }
0x3d: {  	[tilespmem:s29], [sflag:$0x2] =	stream.indirect.gather [hbm4b:s4+s23], $0x80, s25, s23, $0xb8;
	[tilespmem:$0x1BAC0] =	vst v63  }
0x3e: {  	_ = 	snop  }
0x3f: {  	[spmem:s2] =	stream.indirect.scatter.add.f32 [tilespmem:s24], [sflag:$0x4], $0x80, s23, s23, $0xb8;
	[tilespmem:$0x1BAC0] =	vst v63  }
0x40: {  	_ =	swait.ge [sflag:s30], $0x4000  }
0x41: {  	p1 =	sle.u32 s17, $0x0;
	[sflag:s30] =	ssyncset.done $0x0  }
0x42: {  	s6 =	simm.s32 @p1 $0x2;
	[sflag:s30] =	ssyncadd.s32 $0xFFFFC000  }
0x43: {  	_ =	swait.ge @p1 [sflag:s6], $0x4000  }
0x44: {  	s8 =	simm.s32 @!p1 $0x4;
	[sflag:s6] =	ssyncset.done @p1 $0x0  }
0x45: {  	s9 =	sadd.s32 @!p1 $0xFFFFFFF0, s21;
	s12 =	simm.s32 @!p1 $0x0;
	[sflag:s6] =	ssyncadd.s32 @p1 $0xFFFFC000  }
0x46: {  	[tilespmem:s12], [sflag:$0x4] =	stream.linear.gather @!p1 [hbm4b:s9+s12], $0x80, $0x38;
	[tilespmem:$0x1BAC0] =	vst v63  }
0x47: {  	_ =	swait.ge @!p1 [sflag:s8], $0x80  }
0x48: {  	[sflag:s8] =	ssyncset.done @!p1 $0x0  }
0x49: {  	s6 =	sadd.s32 @!p1 $0xFFFFFFF0, s20;
	s9 =	simm.s32 @!p1 $0x80;
	[sflag:s8] =	ssyncadd.s32 @!p1 $0xFFFFFF80  }
0x4a: {  	[tilespmem:s9], [sflag:$0x4] =	stream.linear.gather @!p1 [hbm4b:s6+s12], $0x80, $0x38;
	[tilespmem:$0x1BAC0] =	vst v63  }
0x4b: {  	_ =	swait.ge @!p1 [sflag:s8], $0x80  }
0x4c: {  	[sflag:s8] =	ssyncset.done @!p1 $0x0  }
0x4d: {  	s6 =	simm.s32 @!p1 $0x2;
	[sflag:s8] =	ssyncadd.s32 @!p1 $0xFFFFFF80  }
0x4e: {  	_ =	swait.ge @!p1 [sflag:s6], $0x4000  }
0x4f: {  	[sflag:s6] =	ssyncset.done @!p1 $0x0  }
0x50: {  	s8 =	simm.s32 @!p1 $0x200;
	[sflag:s6] =	ssyncadd.s32 @!p1 $0xFFFFC000  }
0x51: {  	[tilespmem:s8], [sflag:$0x1] =	stream.indirect.gather @!p1 [hbm4b:s4+s9], $0x80, s12, s9, $0xb8;
	[tilespmem:$0x1BAC0] =	vst v63  }
0x52: {  	p2 =	sle.u32 s18, $0x0  }
0x53: {  	[spmem:s2] =	stream.indirect.scatter.add.f32 [tilespmem:s29], [sflag:$0x4], $0x80, s26, s23, $0xb8;
	[tilespmem:$0x1BAC0] =	vst v63  }
0x54: {  	s6 =	simm.s32 @!p2 $0x0;
	_ =	swait.ge [sflag:s30], $0x4000  }
0x55: {  	s8 =	simm.s32 @!p2 $0x100;
	s9 =	sadd.s32 $0xFFFFFFFF, s19;
	[sflag:s30] =	ssyncset.done $0x0  }
0x56: {  	s12 =	simm.s32 @!p2 $0x4;
	p1 =	sne.s32 s9, $0x0;
	[sflag:s30] =	ssyncadd.s32 $0xFFFFC000  }
0x57: {  	[tilespmem:s8], [sflag:$0x4] =	stream.linear.gather @!p2 [hbm4b:s21+s6], $0x80, $0x38;
	[tilespmem:$0x1BAC0] =	vst v63  }
.Ltmp0:
0x58: {  	_ =	swait.ge @!p2 [sflag:s12], $0x80;
	(pc) =	sbr.rel @!p1 .LBB2_3-.Ltmp0, $4  }
0x59: {  	s13 =	simm.s32 @!p2 $0x3;
	[sflag:s12] =	ssyncset.done @!p2 $0x0  }
0x5a: {  	s8 =	simm.s32 @!p2 $0x180;
	[sflag:s12] =	ssyncadd.s32 @!p2 $0xFFFFFF80;
	s12 =	simm.s32 $0x0  }
0x5b: {  	[tilespmem:s8], [sflag:$0x3] =	stream.linear.gather @!p2 [hbm4b:s20+s6], $0x80, $0x38;
	[tilespmem:$0x1BAC0] =	vst v63  }
0x5c: {  	s6 =	sadd.s32 $0x20, s20;
	s8 =	sadd.s32 $0x20, s21;
	_ =	swait.ge @!p2 [sflag:s13], $0x80  }
.LBB2_2:
0x5d: {  	s9 =	sadd.s32 $0xFFFFFFFF, s9;
	[sflag:s13] =	ssyncset.done @!p2 $0x0;
	s12 =	sadd.s32 $0x2, s12  }
0x5e: {  	p1 =	sne.s32 s9, $0x0;
	[sflag:s13] =	ssyncadd.s32 @!p2 $0xFFFFFF80  }
0x5f: {  	_ =	swait.ge [sflag:s28], $0x4000  }
0x60: {  	[sflag:s28] =	ssyncset.done $0x0  }
0x61: {  	[sflag:s28] =	ssyncadd.s32 $0xFFFFC000  }
0x62: {  	[tilespmem:s29], [sflag:$0x2] =	stream.indirect.gather [hbm4b:s4+s23], $0x80, s25, s23, $0xb8;
	[tilespmem:$0x1BAC0] =	vst v63  }
0x63: {  	_ = 	snop  }
0x64: {  	[spmem:s2] =	stream.indirect.scatter.add.f32 [tilespmem:s24], [sflag:$0x4], $0x80, s23, s23, $0xb8;
	[tilespmem:$0x1BAC0] =	vst v63  }
0x65: {  	p2 =	sge.u32 s12, s17;
	_ =	swait.ge [sflag:s30], $0x4000  }
0x66: {  	s13 =	simm.s32 @p2 $0x2;
	[sflag:s30] =	ssyncset.done $0x0  }
0x67: {  	[sflag:s30] =	ssyncadd.s32 $0xFFFFC000  }
0x68: {  	s10 =	simm.s32 @!p2 $0x4;
	_ =	swait.ge @p2 [sflag:s13], $0x4000  }
0x69: {  	s11 =	sadd.s32 @!p2 $0xFFFFFFF0, s8;
	s14 =	simm.s32 @!p2 $0x0;
	[sflag:s13] =	ssyncset.done @p2 $0x0  }
0x6a: {  	[sflag:s13] =	ssyncadd.s32 @p2 $0xFFFFC000  }
0x6b: {  	[tilespmem:s14], [sflag:$0x4] =	stream.linear.gather @!p2 [hbm4b:s11+s14], $0x80, $0x38;
	[tilespmem:$0x1BAC0] =	vst v63  }
0x6c: {  	_ =	swait.ge @!p2 [sflag:s10], $0x80  }
0x6d: {  	s13 =	simm.s32 @!p2 $0x80;
	s11 =	sadd.s32 @!p2 $0xFFFFFFF0, s6;
	[sflag:s10] =	ssyncset.done @!p2 $0x0  }
0x6e: {  	[sflag:s10] =	ssyncadd.s32 @!p2 $0xFFFFFF80  }
0x6f: {  	[tilespmem:s13], [sflag:$0x4] =	stream.linear.gather @!p2 [hbm4b:s11+s14], $0x80, $0x38;
	[tilespmem:$0x1BAC0] =	vst v63  }
0x70: {  	_ =	swait.ge @!p2 [sflag:s10], $0x80  }
0x71: {  	s11 =	simm.s32 @!p2 $0x2;
	[sflag:s10] =	ssyncset.done @!p2 $0x0  }
0x72: {  	[sflag:s10] =	ssyncadd.s32 @!p2 $0xFFFFFF80  }
0x73: {  	_ =	swait.ge @!p2 [sflag:s11], $0x4000  }
0x74: {  	s10 =	simm.s32 @!p2 $0x200;
	[sflag:s11] =	ssyncset.done @!p2 $0x0  }
0x75: {  	[sflag:s11] =	ssyncadd.s32 @!p2 $0xFFFFC000  }
0x76: {  	[tilespmem:s10], [sflag:$0x1] =	stream.indirect.gather @!p2 [hbm4b:s4+s13], $0x80, s14, s13, $0xb8;
	[tilespmem:$0x1BAC0] =	vst v63  }
0x77: {  	_ = 	snop  }
0x78: {  	[spmem:s2] =	stream.indirect.scatter.add.f32 [tilespmem:s29], [sflag:$0x4], $0x80, s26, s23, $0xb8;
	[tilespmem:$0x1BAC0] =	vst v63  }
0x79: {  	p2 =	sge.u32 s12, s18;
	_ =	swait.ge [sflag:s30], $0x4000  }
0x7a: {  	s10 =	simm.s32 @!p2 $0x0;
	s11 =	simm.s32 @!p2 $0x100;
	[sflag:s30] =	ssyncset.done $0x0  }
0x7b: {  	s13 =	simm.s32 @!p2 $0x4;
	[sflag:s30] =	ssyncadd.s32 $0xFFFFC000  }
0x7c: {  	[tilespmem:s11], [sflag:$0x4] =	stream.linear.gather @!p2 [hbm4b:s8+s10], $0x80, $0x38;
	[tilespmem:$0x1BAC0] =	vst v63  }
.Ltmp1:
0x7d: {  	_ =	swait.ge @!p2 [sflag:s13], $0x80;
	(pc) =	sbr.rel @p1 .LBB2_2-.Ltmp1, $4  }
0x7e: {  	s11 =	simm.s32 @!p2 $0x180;
	[sflag:s13] =	ssyncset.done @!p2 $0x0  }
0x7f: {  	[sflag:s13] =	ssyncadd.s32 @!p2 $0xFFFFFF80;
	s13 =	simm.s32 @!p2 $0x3  }
0x80: {  	[tilespmem:s11], [sflag:$0x3] =	stream.linear.gather @!p2 [hbm4b:s6+s10], $0x80, $0x38;
	[tilespmem:$0x1BAC0] =	vst v63  }
0x81: {  	s8 =	sadd.s32 $0x20, s8;
	s6 =	sadd.s32 $0x20, s6;
	_ =	swait.ge @!p2 [sflag:s13], $0x80  }
.LBB2_3:
0x82: {  	[sflag:s13] =	ssyncset.done @!p2 $0x0  }
0x83: {  	[sflag:s13] =	ssyncadd.s32 @!p2 $0xFFFFFF80  }
0x84: {  	_ =	swait.ge [sflag:s28], $0x4000  }
0x85: {  	[sflag:s28] =	ssyncset.done $0x0  }
0x86: {  	[sflag:s28] =	ssyncadd.s32 $0xFFFFC000  }
0x87: {  	[tilespmem:s29], [sflag:$0x2] =	stream.indirect.gather [hbm4b:s4+s23], $0x80, s25, s23, $0xb8;
	[tilespmem:$0x1BAC0] =	vst v63  }
0x88: {  	_ = 	snop  }
0x89: {  	[spmem:s2] =	stream.indirect.scatter.add.f32 [tilespmem:s24], [sflag:$0x4], $0x80, s23, s23, $0xb8;
	[tilespmem:$0x1BAC0] =	vst v63  }
0x8a: {  	s9 =	sadd.s32 $0x2, s12;
	_ =	swait.ge [sflag:s30], $0x4000  }
0x8b: {  	p1 =	slt.u32 s9, s17;
	[sflag:s30] =	ssyncset.done $0x0  }
0x8c: {  	s10 =	sadd.s32 @p1 $0xFFFFFFF0, s8;
	s11 =	simm.s32 @p1 $0x0;
	[sflag:s30] =	ssyncadd.s32 $0xFFFFC000  }
0x8d: {  	[tilespmem:s11], [sflag:$0x4] =	stream.linear.gather @p1 [hbm4b:s10+s11], $0x80, $0x38;
	[tilespmem:$0x1BAC0] =	vst v63  }
0x8e: {  	s10 =	simm.s32 @p1 $0x4  }
0x8f: {  	_ =	swait.ge @p1 [sflag:s10], $0x80  }
0x90: {  	[sflag:s10] =	ssyncset.done @p1 $0x0  }
0x91: {  	s12 =	sadd.s32 @p1 $0xFFFFFFF0, s6;
	s13 =	simm.s32 @p1 $0x80;
	[sflag:s10] =	ssyncadd.s32 @p1 $0xFFFFFF80  }
0x92: {  	[tilespmem:s13], [sflag:$0x4] =	stream.linear.gather @p1 [hbm4b:s12+s11], $0x80, $0x38;
	[tilespmem:$0x1BAC0] =	vst v63  }
0x93: {  	_ =	swait.ge @p1 [sflag:s10], $0x80  }
0x94: {  	[sflag:s10] =	ssyncset.done @p1 $0x0  }
0x95: {  	[sflag:s10] =	ssyncadd.s32 @p1 $0xFFFFFF80;
	s10 =	simm.s32 @p1 $0x2  }
0x96: {  	_ =	swait.ge @p1 [sflag:s10], $0x4000  }
0x97: {  	[sflag:s10] =	ssyncset.done @p1 $0x0  }
0x98: {  	[sflag:s10] =	ssyncadd.s32 @p1 $0xFFFFC000;
	s10 =	simm.s32 @p1 $0x200  }
0x99: {  	[tilespmem:s10], [sflag:$0x1] =	stream.indirect.gather @p1 [hbm4b:s4+s13], $0x80, s11, s13, $0xb8;
	[tilespmem:$0x1BAC0] =	vst v63  }
0x9a: {  	s10 =	simm.s32 @!p1 $0x2  }
0x9b: {  	_ =	swait.ge @!p1 [sflag:s10], $0x4000  }
0x9c: {  	[sflag:s10] =	ssyncset.done @!p1 $0x0  }
0x9d: {  	[sflag:s10] =	ssyncadd.s32 @!p1 $0xFFFFC000  }
0x9e: {  	[spmem:s2] =	stream.indirect.scatter.add.f32 [tilespmem:s29], [sflag:$0x4], $0x80, s26, s23, $0xb8;
	[tilespmem:$0x1BAC0] =	vst v63  }
0x9f: {  	_ =	swait.ge [sflag:s30], $0x4000  }
0xa0: {  	p1 =	sge.u32 s9, s18;
	[sflag:s30] =	ssyncset.done $0x0  }
0xa1: {  	s9 =	simm.s32 @!p1 $0x0;
	s10 =	simm.s32 @!p1 $0x100;
	[sflag:s30] =	ssyncadd.s32 $0xFFFFC000  }
0xa2: {  	[tilespmem:s10], [sflag:$0x4] =	stream.linear.gather @!p1 [hbm4b:s8+s9], $0x80, $0x38;
	[tilespmem:$0x1BAC0] =	vst v63  }
0xa3: {  	s8 =	simm.s32 @!p1 $0x4  }
0xa4: {  	_ =	swait.ge @!p1 [sflag:s8], $0x80  }
0xa5: {  	[sflag:s8] =	ssyncset.done @!p1 $0x0  }
0xa6: {  	[sflag:s8] =	ssyncadd.s32 @!p1 $0xFFFFFF80;
	s8 =	simm.s32 @!p1 $0x180  }
0xa7: {  	[tilespmem:s8], [sflag:$0x3] =	stream.linear.gather @!p1 [hbm4b:s6+s9], $0x80, $0x38;
	[tilespmem:$0x1BAC0] =	vst v63  }
0xa8: {  	s6 =	simm.s32 @!p1 $0x3  }
0xa9: {  	_ =	swait.ge @!p1 [sflag:s6], $0x80  }
0xaa: {  	[sflag:s6] =	ssyncset.done @!p1 $0x0  }
0xab: {  	[sflag:s6] =	ssyncadd.s32 @!p1 $0xFFFFFF80  }
0xac: {  	[bflag:$0x0] =	sbarrier.arrive $0xFFFF  }
0xad: {  	s13 =	rddreg [dreg:$0xb]  }
0xae: {  	[hbm:s13], [sflag:s7] =	dma.local [spmem:s1], $0x2700  }
0xaf: {  	_ =	swait.ge [sflag:s22], $0x2700  }
0xb0: {  	[sflag:s22] =	ssyncset.done $0x0  }
0xb1: {  	s1 =	rddreg [dreg:$0xc];
	[sflag:s22] =	ssyncadd.s32 $0xFFFFD900  }
0xb2: {  	[hbm:s1], [sflag:s7] =	dma.local @!p0 [spmem:s5], $0x100  }
0xb3: {  	_ =	swait.ge @!p0 [sflag:s0], $0x100  }
0xb4: {  	s31 =	sadd.s32 $0x1, s31;
	s14 =	rddreg [dreg:$0xd]  }
0xb5: {  	p1 =	sne.s32 s31, s14  }
.Ltmp2:
0xb6: {  	_ = 	snop;
	(pc) =	sbr.rel @p1 .LBB2_1-.Ltmp2, $3  }
0xb7: {  	_ =	sdelay $0x1  }
0xb8: {  	[sflag:s0] =	ssyncset.done @!p0 $0x0  }
0xb9: {  	[sflag:s0] =	ssyncadd.s32 @!p0 $0xFFFFFF00  }
0xba: {  	_ =	sfence.sel $0x180000  }
0xbb: {  	[bflag:$0x0] =	sbarrier.arrive $0xFFFF  }
0xbc: {  	_ =	strace $0x9000004A  }
0xbd: {  	s0 =	stileid.u32;
	[bflag:$0x2] =	sbarrier.arrive $0xFFFF  }
0xbe: {  	p0 =	sne.s32 s0, $0x0;
	s0 =	rddreg [dreg:$0x4]  }
0xbf: {  	s0 =	sadd.s32 @!p0 $0x100000, s0  }
0xc0: {  	[sflag:s0] =	ssyncadd.tile.s32 @!p0 $0x1;
	_ =	shalt  }
.Lfunc_end2:
_tile_overlayer_lowered:
.L_overlay_start_2:
0xc1: {  	(tag) =	ssettag $0x2  }
0xc2: {  	s0 =	rddreg [dreg:$0x0];
	s2 =	stileid.u32  }
0xc3: {  	s1 =	rddreg [dreg:$0x1];
	p0 =	sne.s32 s2, $0x0  }
0xc4: {  	s3 =	rddreg [dreg:$0x2];
	[bflag:$0x3] =	sbarrier.arrive $0xFFFF;
	s2 =	simm.s32 @!p0 $0x1C03  }
0xc5: {  	[timem:s3], [sflag:s2] =	dma.local @!p0 [hbm:s0], s1  }
0xc6: {  	s0 =	simm.s32 @!p0 $0x3  }
0xc7: {  	_ =	swait.ge @!p0 [sflag:s0], s1  }
0xc8: {  	s1 =	ssub.s32 @!p0 $0x0, s1;
	[sflag:s0] =	ssyncset.done @!p0 $0x0  }
0xc9: {  	[sflag:s0] =	ssyncadd.s32 @!p0 s1  }
0xca: {  	[bflag:$0x3] =	sbarrier.arrive $0xFFFF  }
0xcb: {  	_ =	shalt  }

// kernel: kernel.14.cloned.1.call-start
scs
__scs_entry_jumppad:
0x0: {  	(pc) =	sbr.rel $0x88, $3  }
0x1: {  	(tag) =	ssettag $0x0;
	lr =	simm.s32 $0x1  }
0x2: {  	[smem:$0x3F99] =	sst lr;
	_ =	strace $0xD0000000  }
0x3: {  	_ = 	snop  }
0x4: {  	_ = 	snop  }
0x5: {  	_ = 	snop  }
0x6: {  	_ = 	snop  }
0x7: {  	_ = 	snop  }
__scs_overlays_trampoline_lowered:
0x8: {  	[smem:$0x3FA8] =	sst s0  }
0x9: {  	[smem:$0x3FA9] =	sst s1  }
0xa: {  	[smem:$0x3FAA] =	sst s2  }
0xb: {  	[smem:$0x3FAB] =	sst s3  }
0xc: {  	[smem:$0x3FAC] =	sst s4  }
0xd: {  	[smem:$0x3FAD] =	sst s5  }
0xe: {  	[smem:$0x3FAE] =	sst s6  }
0xf: {  	[smem:$0x3FAF] =	sst s7  }
0x10: {  	[smem:$0x3FB0] =	sst s8  }
0x11: {  	[smem:$0x3FB1] =	sst s9;
	s0 =	simm.s32 @!p0 $0x0  }
0x12: {  	s1 =	sld [smem:$0x3F97];
	s0 =	simm.s32 @p0 $0x1  }
0x13: {  	[smem:$0x3FB2] =	sst s0;
	s0 =	simm.s32 @!p1 $0x0  }
0x14: {  	s2 =	sld [smem:$0x3F96];
	s0 =	simm.s32 @p1 $0x1  }
0x15: {  	[smem:$0x3FB3] =	sst s0;
	s0 =	simm.s32 @!p2 $0x0  }
0x16: {  	s3 =	sld [smem:$0x3FDB];
	s0 =	simm.s32 @p2 $0x1  }
0x17: {  	s4 =	simm.s32 $0x1BF5;
	[smem:$0x3FB5] =	sst s0  }
0x18: {  	s0 =	sld [smem:$0x3F98];
	_ =	swait.ge [sflag:s4], $0x0  }
0x19: {  	s7 =	sld [smem:$0x3F99]  }
0x1a: {  	s8 =	sadd.s32 $0xFFFFE003, lr  }
0x1b: {  	s9 =	sadd.s32 $0xFFFFFEF7, lr;
	s5 =	simm.s32 $0xFFFFFFFF;
	p2 =	slt.u32 s8, $0xFFFFF086  }
0x1c: {  	p1 =	slt.u32 s9, $0xF7A;
	s5 =	simm.s32 @!p2 $0x0  }
0x1d: {  	s5 =	simm.s32 @p1 $0x1;
	p0 =	seq.s32 s7, s2  }
0x1e: {  	s7 =	smul.u32 @!p0 $0xF7A, s2;
	p2 =	seq.s32 @!p0 s5, $0x0  }
0x1f: {  	s9 =	smul.u32 $0xF7A, s1;
	s8 =	simm.s32 @!p0 $0x1BF5;
	p2 =	por !p2, p0  }
0x20: {  	[sflag:s8] =	ssyncset.s32 @!p0 $0xFFFFF086;
	s6 =	sadd.s32 @!p0 s3, s7;
	s7 =	simm.s32 @!p0 $0x108  }
0x21: {  	s3 =	sadd.s32 s3, s9;
	s6 =	sadd.s32 @!p0 $0x88, s6;
	s7 =	simm.s32 @p2 $0x1082  }
0x22: {  	[simem:s7], [sflag:s8] =	dma.local @!p0 [hbm:s6], $0xF7A  }
0x23: {  	s9 =	sor.u32 $0xD0000000, s2;
	s6 =	simm.s32 $0x108;
	_ =	swait.ge @!p0 [sflag:s8], $0x0  }
0x24: {  	s3 =	sadd.s32 $0x88, s3;
	s6 =	simm.s32 @!p1 $0x1082;
	[sflag:s4] =	ssyncset.s32 $0xFFFFF086  }
0x25: {  	[simem:s6], [sflag:s4] =	dma.local [hbm:s3], $0xF7A  }
0x26: {  	[smem:$0x3F99] =	sst s1;
	(tag) =	ssettag s2;
	_ =	strace s9  }
0x27: {  	s1 =	sld [smem:$0x3FA9]  }
0x28: {  	s2 =	sld [smem:$0x3FAA]  }
0x29: {  	s4 =	sld [smem:$0x3FAC]  }
0x2a: {  	p0 =	seq.s32 s5, $0x0;
	s5 =	sld [smem:$0x3FAD]  }
0x2b: {  	s6 =	sld [smem:$0x3FAE]  }
0x2c: {  	s7 =	sld [smem:$0x3FAF]  }
0x2d: {  	s3 =	simm.s32 $0x108;
	s8 =	sld [smem:$0x3FB0]  }
0x2e: {  	s3 =	simm.s32 @!p0 $0x1082;
	s9 =	sld [smem:$0x3FB1]  }
0x2f: {  	lr =	sadd.s32 s0, s3;
	s0 =	sld [smem:$0x3FA8]  }
0x30: {  	s3 =	sld [smem:$0x3FAB]  }
0x31: {  	[smem:$0x3FB4] =	sst s10  }
0x32: {  	s10 =	sld [smem:$0x3FB2];
	_ =	sdelay $0x3  }
0x33: {  	p0 =	seq.s32 s10, $0x1;
	s10 =	sld [smem:$0x3FB4];
	_ =	sdelay $0x3  }
0x34: {  	[smem:$0x3FB4] =	sst s10  }
0x35: {  	s10 =	sld [smem:$0x3FB3];
	_ =	sdelay $0x3  }
0x36: {  	p1 =	seq.s32 s10, $0x1;
	s10 =	sld [smem:$0x3FB4];
	_ =	sdelay $0x3  }
0x37: {  	[smem:$0x3FB4] =	sst s10  }
0x38: {  	s10 =	sld [smem:$0x3FB5]  }
0x39: {  	_ = 	snop;
	(pc) =	sbr.ind lr, $3  }
0x3a: {  	_ = 	snop  }
0x3b: {  	_ = 	snop  }
0x3c: {  	p2 =	seq.s32 s10, $0x1;
	s10 =	sld [smem:$0x3FB4]  }
0x3d: {  	_ =	shalt  }
0x3e: {  	_ =	shalt  }
0x3f: {  	_ =	shalt  }
0x40: {  	_ =	shalt  }
0x41: {  	_ =	shalt  }
0x42: {  	_ =	shalt  }
0x43: {  	_ =	shalt  }
0x44: {  	_ =	shalt  }
0x45: {  	_ =	shalt  }
0x46: {  	_ =	shalt  }
0x47: {  	_ =	shalt  }
0x48: {  	_ =	shalt  }
0x49: {  	_ =	shalt  }
0x4a: {  	_ =	shalt  }
0x4b: {  	_ =	shalt  }
0x4c: {  	_ =	shalt  }
0x4d: {  	_ =	shalt  }
0x4e: {  	_ =	shalt  }
0x4f: {  	_ =	shalt  }
0x50: {  	_ =	shalt  }
0x51: {  	_ =	shalt  }
0x52: {  	_ =	shalt  }
0x53: {  	_ =	shalt  }
0x54: {  	_ =	shalt  }
0x55: {  	_ =	shalt  }
0x56: {  	_ =	shalt  }
0x57: {  	_ =	shalt  }
0x58: {  	_ =	shalt  }
0x59: {  	_ =	shalt  }
0x5a: {  	_ =	shalt  }
0x5b: {  	_ =	shalt  }
0x5c: {  	_ =	shalt  }
0x5d: {  	_ =	shalt  }
0x5e: {  	_ =	shalt  }
0x5f: {  	_ =	shalt  }
0x60: {  	_ =	shalt  }
0x61: {  	_ =	shalt  }
0x62: {  	_ =	shalt  }
0x63: {  	_ =	shalt  }
0x64: {  	_ =	shalt  }
0x65: {  	_ =	shalt  }
0x66: {  	_ =	shalt  }
0x67: {  	_ =	shalt  }
0x68: {  	_ =	shalt  }
0x69: {  	_ =	shalt  }
0x6a: {  	_ =	shalt  }
0x6b: {  	_ =	shalt  }
0x6c: {  	_ =	shalt  }
0x6d: {  	_ =	shalt  }
0x6e: {  	_ =	shalt  }
0x6f: {  	_ =	shalt  }
0x70: {  	_ =	shalt  }
0x71: {  	_ =	shalt  }
0x72: {  	_ =	shalt  }
0x73: {  	_ =	shalt  }
0x74: {  	_ =	shalt  }
0x75: {  	_ =	shalt  }
0x76: {  	_ =	shalt  }
0x77: {  	_ =	shalt  }
0x78: {  	_ =	shalt  }
0x79: {  	_ =	shalt  }
0x7a: {  	_ =	shalt  }
0x7b: {  	_ =	shalt  }
0x7c: {  	_ =	shalt  }
0x7d: {  	_ =	shalt  }
0x7e: {  	_ =	shalt  }
0x7f: {  	_ =	shalt  }
0x80: {  	_ =	shalt  }
0x81: {  	_ =	shalt  }
0x82: {  	_ =	shalt  }
0x83: {  	_ =	shalt  }
0x84: {  	_ =	shalt  }
0x85: {  	_ =	shalt  }
0x86: {  	_ =	shalt  }
0x87: {  	_ =	shalt  }
.Lfunc_end0:
.L_simem_size_0:
called_computation.2_lowered:
.L_overlay_start_0:
0x88: {  	s2 =	sld [smem:$0x3FD9]  }
0x89: {  	s3 =	sld [smem:$0x3FFE];
	_ =	sdelay $0x1  }
0x8a: {  	s1 =	srdreg.scid  }
0x8b: {  	s0 =	sand.u32 $0x1, s1  }
0x8c: {  	s14 =	sshll.u32 s0, $0xA;
	s2 =	sadd.s32 s3, s2  }
0x8d: {  	s2 =	sadd.s32 s2, s14  }
0x8e: {  	[smem:$0x3FC0] =	sst s2  }
0x8f: {  	_ = 	snop  }
0x90: {  	s2 =	sld [smem:$0x3FD0];
	_ =	sdelay $0x2  }
0x91: {  	s15 =	simm.s32 $0xA;
	s4 =	simm.s32 $0x10  }
0x92: {  	[smem:s4], [sflag:s15] =	dma.local [hbm:s2], $0x1  }
0x93: {  	_ =	swait.eq [sflag:s15], $0x1  }
0x94: {  	[sflag:s15] =	ssyncset.done $0x0  }
0x95: {  	s16 =	sld [smem:$0x10];
	[sflag:s15] =	ssyncadd.s32 $0xFFFFFFFF  }
0x96: {  	s17 =	sld [smem:$0x11];
	(tm) =	ssettm $0x1  }
0x97: {  	s18 =	sld [smem:$0x3FFB];
	_ =	sdelay $0x3  }
0x98: {  	_ =	strace s18  }
0x99: {  	s4 =	sld [smem:$0x3FFC];
	_ =	sdelay $0x3  }
0x9a: {  	_ =	strace s4  }
0x9b: {  	s4 =	sld [smem:$0x3FFD];
	_ =	sdelay $0x3  }
0x9c: {  	_ =	strace s4  }
0x9d: {  	_ =	strace $0x8FFFFFFF  }
0x9e: {  	s19 =	sld [smem:$0x3FDB];
	_ =	sdelay $0x1  }
0x9f: {  	s5 =	simm.s32 $_scs_section_size  }
0xa0: {  	s6 =	simm.s32 $_size__tile_overlayer_lowered;
	s7 =	simm.s32 $_tile_overlayer_lowered  }
0xa1: {  	s22 =	simm.s32 $0x1BFF;
	s21 =	sshll.u32 s7, $0x1;
	s4 =	sadd.s32 s5, s19  }
0xa2: {  	s8 =	simm.s32 $0x0;
	s20 =	sshll.u32 s6, $0x1;
	s6 =	sadd.s32 s21, s4  }
0xa3: {  	[timem:s8], [sflag:s22] =	dma.local [hbm:s6], s20  }
0xa4: {  	_ =	swait.ge [sflag:s22], s20  }
0xa5: {  	s5 =	ssub.s32 $0x0, s20;
	[sflag:s22] =	ssyncset.done $0x0  }
0xa6: {  	[sflag:s22] =	ssyncadd.s32 s5;
	_ =	sdelay $0x1  }
0xa7: {  	s23 =	simm.s32 $0x1B8B  }
0xa8: {  	_ =	swait.ge [sflag:s23], $0x1  }
0xa9: {  	[sflag:s23] =	ssyncset.done $0x0  }
0xaa: {  	s25 =	simm.s32 $0x1B8E;
	s24 =	sld [smem:$0x3FFE];
	[sflag:s23] =	ssyncadd.s32 $0xFFFFFFFF  }
0xab: {  	s26 =	simm.s32 $execute0_lowered;
	[smem:$0x3FD2] =	sst s25  }
0xac: {  	s6 =	sshll.u32 s26, $0x1;
	_ =	strace $0x8000004C;
	[dreg:$0x1] =	wrdreg $0xFFFFFFFF  }
0xad: {  	s28 =	simm.s32 $_size_execute0_lowered;
	s4 =	sadd.s32 s4, s6;
	[dreg:$0x0] =	wrdreg $0x0  }
0xae: {  	s6 =	sshll.u32 s28, $0x1;
	[dreg:$0x2] =	wrdreg s4  }
0xaf: {  	[dreg:$0x3] =	wrdreg s6  }
0xb0: {  	[dreg:$0x4] =	wrdreg $0xC0  }
0xb1: {  	_ =	task [dreg:s8], $0x5FFFF  }
0xb2: {  	[dreg:$0x1] =	wrdreg $0xFFFFFFFF  }
0xb3: {  	[dreg:$0x0] =	wrdreg $0x60  }
0xb4: {  	[dreg:$0x2] =	wrdreg s24  }
0xb5: {  	[dreg:$0x3] =	wrdreg s16  }
0xb6: {  	[dreg:$0x4] =	wrdreg s17  }
0xb7: {  	[dreg:$0x5] =	wrdreg $0x82000  }
0xb8: {  	[dreg:$0x6] =	wrdreg $0x9  }
0xb9: {  	_ =	task.clear_ibuf [dreg:s8], $0x7FFFF;
	_ =	strace $0x9000004C  }
0xba: {  	s29 =	simm.s32 $0x9;
	_ =	strace $0x8000004E  }
0xbb: {  	_ =	swait.ge [sflag:s29], $0x1  }
0xbc: {  	[sflag:s29] =	ssyncadd.s32 $0xFFFFFFFF  }
0xbd: {  	_ =	strace $0x9000004E  }
0xbe: {  	_ =	sfence  }
0xbf: {  	s30 =	sld [smem:$0x0];
	_ =	sdelay $0x2  }
0xc0: {  	s31 =	sshll.u32 s1, $0xD;
	s1 =	sshrl.u32 s1, $0x2  }
0xc1: {  	s3 =	sand.u32 $0x4000, s31;
	s1 =	sadd.s32 s1, s30  }
0xc2: {  	s0 =	sor.u32 s3, s0;
	s1 =	sshll.u32 s1, $0x11  }
0xc3: {  	s0 =	sor.u32 s1, s0  }
0xc4: {  	s0 =	sadd.s32 $0x8F2B, s0  }
0xc5: {  	[sflag:s0] =	ssyncadd.remote.s32 $0x1  }
0xc6: {  	_ =	sfence.sel $0xFFFF  }
0xc7: {  	[dreg:$0x0] =	wrdreg $0xFFFFFFFF;
	(pc) =	sbr.abs _section_cstart, $3  }
0xc8: {  	[dreg:$0x1] =	wrdreg $0xFFFFFFFF  }
0xc9: {  	_ =	task.clear_ibuf [dreg:s8], $0x2FFFF;
	_ =	strace $0x9FFFFFFF  }
0xca: {  	(tm) =	ssettm $0x7FFFFFFF  }
0xcb: {  	_ =	shalt  }
tec
execute0_lowered:
.L_overlay_start_1:
0x0: {  	(tag) =	ssettag $0x1  }
0x1: {  	s0 =	rddreg [dreg:$0x0]  }
0x2: {  	s1 =	rddreg [dreg:$0x1]  }
0x3: {  	s5 =	rddreg [dreg:$0x2]  }
0x4: {  	s2 =	rddreg [dreg:$0x3]  }
0x5: {  	s3 =	simm.s32 $0x0;
	s22 =	stileid.u32;
	s4 =	srdreg.scid  }
0x6: {  	s28 =	simm.s32 $0x1;
	s29 =	simm.s32 $0x4200;
	s30 =	simm.s32 $0x4  }
0x7: {  	s31 =	simm.s32 $0x0;
	[smem:$0x7FF] =	sst s3;
	s6 =	smul.u32 $0x2700, s22  }
0x8: {  	s8 =	sand.u32 $0x1, s4;
	s4 =	sadd.s32 $0x2A400, s0;
	s9 =	smul.u32 $0x4E000, s22  }
0x9: {  	s12 =	sadd.s32 $0x51600, s0;
	s17 =	smul.u32 $0x28, s22;
	s19 =	sshll.u32 s22, $0x6  }
0xa: {  	s20 =	sadd.s32 $0x138000, s2;
	_ =	strace $0x8000004D;
	s7 =	ssub.s32 $0x2, s8  }
0xb: {  	p0 =	seq.s32 s8, $0x0;
	[dreg:$0x7] =	wrdreg s20;
	s14 =	smul.u32 $0x138800, s8  }
0xc: {  	s8 =	smul.u32 $0x27100, s8;
	s10 =	sadd.s32 s6, s0;
	s11 =	sshrl.u32 s7, $0x1  }
0xd: {  	s16 =	sshrl.u32 s9, $0x2;
	s9 =	sadd.s32 $0x780, s17;
	s0 =	sadd.s32 $0x2A200, s0  }
0xe: {  	s13 =	ssub.s32 s7, s11;
	s7 =	sadd.s32 s16, s2;
	s18 =	sadd.s32 $0x3200, s10  }
0xf: {  	s10 =	smul.u32 $0x78, s22;
	[dreg:$0x8] =	wrdreg s0;
	s0 =	simm.s32 $0x78  }
0x10: {  	s24 =	sshrl.u32 s14, $0x3;
	s6 =	sadd.s32 s6, s8;
	[dreg:$0x5] =	wrdreg s7  }
0x11: {  	[dreg:$0x6] =	wrdreg s18;
	s7 =	sor.u32 $0x1C03, s19;
	s6 =	sadd.s32 s12, s6  }
0x12: {  	s0 =	simm.s32 @!p0 $0x28;
	s26 =	smax.u32 s13, $0x1;
	[dreg:$0xb] =	wrdreg s6  }
0x13: {  	s9 =	smov.u32 @p0 s10;
	s25 =	sshrl.u32 s0, $0x1;
	[dreg:$0xd] =	wrdreg s26  }
0x14: {  	s17 =	sadd.s32 $0xFFFFFFFE, s0;
	s18 =	sadd.s32 $0xFFFFFFFD, s0;
	p0 =	sne.s32 s22, $0xF  }
0x15: {  	s22 =	simm.s32 $0x3;
	s26 =	simm.s32 $0x180;
	s9 =	sshll.u32 s9, $0x4  }
0x16: {  	s10 =	sadd.s32 s1, s9;
	s21 =	sadd.s32 s5, s9;
	s9 =	sor.u32 $0x10, s9  }
0x17: {  	s19 =	sadd.s32 $0xFFFFFFFF, s25;
	s25 =	simm.s32 $0x100;
	s1 =	sadd.s32 s1, s9  }
0x18: {  	s23 =	sadd.s32 s5, s9;
	s16 =	smov.u32 s21;
	s20 =	sadd.s32 $0x30, s21  }
0x19: {  	s15 =	smov.u32 s10;
	[dreg:$0x9] =	wrdreg s1;
	s1 =	sadd.s32 s12, s24  }
0x1a: {  	s21 =	sadd.s32 $0x30, s10;
	[dreg:$0xa] =	wrdreg s23;
	s1 =	sadd.s32 $0x27000, s1  }
0x1b: {  	s23 =	simm.s32 $0x80;
	s24 =	simm.s32 $0x200;
	[dreg:$0xc] =	wrdreg s1  }
.LBB2_1:
0x1c: {  	s0 =	rddreg [dreg:$0x5]  }
0x1d: {  	s13 =	rddreg [dreg:$0x6];
	s1 =	sshrl.u32 s0, $0x3  }
0x1e: {  	[spmem:s1], [sflag:s7] =	dma.local [hbm:s13], $0x2700  }
0x1f: {  	_ =	swait.ge [sflag:s22], $0x2700  }
0x20: {  	[sflag:s22] =	ssyncset.done $0x0;
	s0 =	rddreg [dreg:$0x7]  }
0x21: {  	[sflag:s22] =	ssyncadd.s32 $0xFFFFD900;
	s5 =	sshrl.u32 @!p0 s0, $0x3;
	s0 =	rddreg [dreg:$0x8]  }
0x22: {  	[spmem:s5], [sflag:s7] =	dma.local @!p0 [hbm:s0], $0x100  }
0x23: {  	s0 =	simm.s32 @!p0 $0x3  }
0x24: {  	_ =	swait.ge @!p0 [sflag:s0], $0x100  }
0x25: {  	[sflag:s0] =	ssyncset.done @!p0 $0x0  }
0x26: {  	[sflag:s0] =	ssyncadd.s32 @!p0 $0xFFFFFF00  }
0x27: {  	[bflag:$0x0] =	sbarrier.arrive $0xFFFF  }
0x28: {  	[tilespmem:s3], [sflag:$0x3] =	stream.linear.gather [hbm4b:s15+s3], $0x80, $0x38;
	[tilespmem:$0x1BAC0] =	vst v63  }
0x29: {  	_ =	swait.ge [sflag:s22], $0x80  }
0x2a: {  	[sflag:s22] =	ssyncset.done $0x0  }
0x2b: {  	[sflag:s22] =	ssyncadd.s32 $0xFFFFFF80  }
0x2c: {  	[tilespmem:s23], [sflag:$0x3] =	stream.linear.gather [hbm4b:s16+s3], $0x80, $0x38;
	[tilespmem:$0x1BAC0] =	vst v63  }
0x2d: {  	_ =	swait.ge [sflag:s22], $0x80  }
0x2e: {  	[sflag:s22] =	ssyncset.done $0x0  }
0x2f: {  	[sflag:s22] =	ssyncadd.s32 $0xFFFFFF80  }
0x30: {  	[tilespmem:s24], [sflag:$0x1] =	stream.indirect.gather [hbm4b:s4+s23], $0x80, s3, s23, $0xb8;
	[tilespmem:$0x1BAC0] =	vst v63  }
0x31: {  	s6 =	rddreg [dreg:$0x9]  }
0x32: {  	[tilespmem:s25], [sflag:$0x3] =	stream.linear.gather [hbm4b:s6+s3], $0x80, $0x38;
	[tilespmem:$0x1BAC0] =	vst v63  }
0x33: {  	_ =	swait.ge [sflag:s22], $0x80  }
0x34: {  	[sflag:s22] =	ssyncset.done $0x0  }
0x35: {  	s14 =	rddreg [dreg:$0xa];
	[sflag:s22] =	ssyncadd.s32 $0xFFFFFF80  }
0x36: {  	[tilespmem:s26], [sflag:$0x3] =	stream.linear.gather [hbm4b:s14+s3], $0x80, $0x38;
	[tilespmem:$0x1BAC0] =	vst v63  }
0x37: {  	_ =	swait.ge [sflag:s22], $0x80  }
0x38: {  	[sflag:s22] =	ssyncset.done $0x0  }
0x39: {  	[sflag:s22] =	ssyncadd.s32 $0xFFFFFF80  }
0x3a: {  	_ =	swait.ge [sflag:s28], $0x4000  }
0x3b: {  	[sflag:s28] =	ssyncset.done $0x0  }
0x3c: {  	[sflag:s28] =	ssyncadd.s32 $0xFFFFC000  }
0x3d: {  	[tilespmem:s29], [sflag:$0x2] =	stream.indirect.gather [hbm4b:s4+s23], $0x80, s25, s23, $0xb8;
	[tilespmem:$0x1BAC0] =	vst v63  }
0x3e: {  	_ = 	snop  }
0x3f: {  	[spmem:s2] =	stream.indirect.scatter.add.f32 [tilespmem:s24], [sflag:$0x4], $0x80, s23, s23, $0xb8;
	[tilespmem:$0x1BAC0] =	vst v63  }
0x40: {  	_ =	swait.ge [sflag:s30], $0x4000  }
0x41: {  	p1 =	sle.u32 s17, $0x0;
	[sflag:s30] =	ssyncset.done $0x0  }
0x42: {  	s6 =	simm.s32 @p1 $0x2;
	[sflag:s30] =	ssyncadd.s32 $0xFFFFC000  }
0x43: {  	_ =	swait.ge @p1 [sflag:s6], $0x4000  }
0x44: {  	s8 =	simm.s32 @!p1 $0x4;
	[sflag:s6] =	ssyncset.done @p1 $0x0  }
0x45: {  	s9 =	sadd.s32 @!p1 $0xFFFFFFF0, s21;
	s12 =	simm.s32 @!p1 $0x0;
	[sflag:s6] =	ssyncadd.s32 @p1 $0xFFFFC000  }
0x46: {  	[tilespmem:s12], [sflag:$0x4] =	stream.linear.gather @!p1 [hbm4b:s9+s12], $0x80, $0x38;
	[tilespmem:$0x1BAC0] =	vst v63  }
0x47: {  	_ =	swait.ge @!p1 [sflag:s8], $0x80  }
0x48: {  	[sflag:s8] =	ssyncset.done @!p1 $0x0  }
0x49: {  	s6 =	sadd.s32 @!p1 $0xFFFFFFF0, s20;
	s9 =	simm.s32 @!p1 $0x80;
	[sflag:s8] =	ssyncadd.s32 @!p1 $0xFFFFFF80  }
0x4a: {  	[tilespmem:s9], [sflag:$0x4] =	stream.linear.gather @!p1 [hbm4b:s6+s12], $0x80, $0x38;
	[tilespmem:$0x1BAC0] =	vst v63  }
0x4b: {  	_ =	swait.ge @!p1 [sflag:s8], $0x80  }
0x4c: {  	[sflag:s8] =	ssyncset.done @!p1 $0x0  }
0x4d: {  	s6 =	simm.s32 @!p1 $0x2;
	[sflag:s8] =	ssyncadd.s32 @!p1 $0xFFFFFF80  }
0x4e: {  	_ =	swait.ge @!p1 [sflag:s6], $0x4000  }
0x4f: {  	[sflag:s6] =	ssyncset.done @!p1 $0x0  }
0x50: {  	s8 =	simm.s32 @!p1 $0x200;
	[sflag:s6] =	ssyncadd.s32 @!p1 $0xFFFFC000  }
0x51: {  	[tilespmem:s8], [sflag:$0x1] =	stream.indirect.gather @!p1 [hbm4b:s4+s9], $0x80, s12, s9, $0xb8;
	[tilespmem:$0x1BAC0] =	vst v63  }
0x52: {  	p2 =	sle.u32 s18, $0x0  }
0x53: {  	[spmem:s2] =	stream.indirect.scatter.add.f32 [tilespmem:s29], [sflag:$0x4], $0x80, s26, s23, $0xb8;
	[tilespmem:$0x1BAC0] =	vst v63  }
0x54: {  	s6 =	simm.s32 @!p2 $0x0;
	_ =	swait.ge [sflag:s30], $0x4000  }
0x55: {  	s8 =	simm.s32 @!p2 $0x100;
	s9 =	sadd.s32 $0xFFFFFFFF, s19;
	[sflag:s30] =	ssyncset.done $0x0  }
0x56: {  	s12 =	simm.s32 @!p2 $0x4;
	p1 =	sne.s32 s9, $0x0;
	[sflag:s30] =	ssyncadd.s32 $0xFFFFC000  }
0x57: {  	[tilespmem:s8], [sflag:$0x4] =	stream.linear.gather @!p2 [hbm4b:s21+s6], $0x80, $0x38;
	[tilespmem:$0x1BAC0] =	vst v63  }
.Ltmp0:
0x58: {  	_ =	swait.ge @!p2 [sflag:s12], $0x80;
	(pc) =	sbr.rel @!p1 .LBB2_3-.Ltmp0, $4  }
0x59: {  	s13 =	simm.s32 @!p2 $0x3;
	[sflag:s12] =	ssyncset.done @!p2 $0x0  }
0x5a: {  	s8 =	simm.s32 @!p2 $0x180;
	[sflag:s12] =	ssyncadd.s32 @!p2 $0xFFFFFF80;
	s12 =	simm.s32 $0x0  }
0x5b: {  	[tilespmem:s8], [sflag:$0x3] =	stream.linear.gather @!p2 [hbm4b:s20+s6], $0x80, $0x38;
	[tilespmem:$0x1BAC0] =	vst v63  }
0x5c: {  	s6 =	sadd.s32 $0x20, s20;
	s8 =	sadd.s32 $0x20, s21;
	_ =	swait.ge @!p2 [sflag:s13], $0x80  }
.LBB2_2:
0x5d: {  	s9 =	sadd.s32 $0xFFFFFFFF, s9;
	[sflag:s13] =	ssyncset.done @!p2 $0x0;
	s12 =	sadd.s32 $0x2, s12  }
0x5e: {  	p1 =	sne.s32 s9, $0x0;
	[sflag:s13] =	ssyncadd.s32 @!p2 $0xFFFFFF80  }
0x5f: {  	_ =	swait.ge [sflag:s28], $0x4000  }
0x60: {  	[sflag:s28] =	ssyncset.done $0x0  }
0x61: {  	[sflag:s28] =	ssyncadd.s32 $0xFFFFC000  }
0x62: {  	[tilespmem:s29], [sflag:$0x2] =	stream.indirect.gather [hbm4b:s4+s23], $0x80, s25, s23, $0xb8;
	[tilespmem:$0x1BAC0] =	vst v63  }
0x63: {  	_ = 	snop  }
0x64: {  	[spmem:s2] =	stream.indirect.scatter.add.f32 [tilespmem:s24], [sflag:$0x4], $0x80, s23, s23, $0xb8;
	[tilespmem:$0x1BAC0] =	vst v63  }
0x65: {  	p2 =	sge.u32 s12, s17;
	_ =	swait.ge [sflag:s30], $0x4000  }
0x66: {  	s13 =	simm.s32 @p2 $0x2;
	[sflag:s30] =	ssyncset.done $0x0  }
0x67: {  	[sflag:s30] =	ssyncadd.s32 $0xFFFFC000  }
0x68: {  	s10 =	simm.s32 @!p2 $0x4;
	_ =	swait.ge @p2 [sflag:s13], $0x4000  }
0x69: {  	s11 =	sadd.s32 @!p2 $0xFFFFFFF0, s8;
	s14 =	simm.s32 @!p2 $0x0;
	[sflag:s13] =	ssyncset.done @p2 $0x0  }
0x6a: {  	[sflag:s13] =	ssyncadd.s32 @p2 $0xFFFFC000  }
0x6b: {  	[tilespmem:s14], [sflag:$0x4] =	stream.linear.gather @!p2 [hbm4b:s11+s14], $0x80, $0x38;
	[tilespmem:$0x1BAC0] =	vst v63  }
0x6c: {  	_ =	swait.ge @!p2 [sflag:s10], $0x80  }
0x6d: {  	s13 =	simm.s32 @!p2 $0x80;
	s11 =	sadd.s32 @!p2 $0xFFFFFFF0, s6;
	[sflag:s10] =	ssyncset.done @!p2 $0x0  }
0x6e: {  	[sflag:s10] =	ssyncadd.s32 @!p2 $0xFFFFFF80  }
0x6f: {  	[tilespmem:s13], [sflag:$0x4] =	stream.linear.gather @!p2 [hbm4b:s11+s14], $0x80, $0x38;
	[tilespmem:$0x1BAC0] =	vst v63  }
0x70: {  	_ =	swait.ge @!p2 [sflag:s10], $0x80  }
0x71: {  	s11 =	simm.s32 @!p2 $0x2;
	[sflag:s10] =	ssyncset.done @!p2 $0x0  }
0x72: {  	[sflag:s10] =	ssyncadd.s32 @!p2 $0xFFFFFF80  }
0x73: {  	_ =	swait.ge @!p2 [sflag:s11], $0x4000  }
0x74: {  	s10 =	simm.s32 @!p2 $0x200;
	[sflag:s11] =	ssyncset.done @!p2 $0x0  }
0x75: {  	[sflag:s11] =	ssyncadd.s32 @!p2 $0xFFFFC000  }
0x76: {  	[tilespmem:s10], [sflag:$0x1] =	stream.indirect.gather @!p2 [hbm4b:s4+s13], $0x80, s14, s13, $0xb8;
	[tilespmem:$0x1BAC0] =	vst v63  }
0x77: {  	_ = 	snop  }
0x78: {  	[spmem:s2] =	stream.indirect.scatter.add.f32 [tilespmem:s29], [sflag:$0x4], $0x80, s26, s23, $0xb8;
	[tilespmem:$0x1BAC0] =	vst v63  }
0x79: {  	p2 =	sge.u32 s12, s18;
	_ =	swait.ge [sflag:s30], $0x4000  }
0x7a: {  	s10 =	simm.s32 @!p2 $0x0;
	s11 =	simm.s32 @!p2 $0x100;
	[sflag:s30] =	ssyncset.done $0x0  }
0x7b: {  	s13 =	simm.s32 @!p2 $0x4;
	[sflag:s30] =	ssyncadd.s32 $0xFFFFC000  }
0x7c: {  	[tilespmem:s11], [sflag:$0x4] =	stream.linear.gather @!p2 [hbm4b:s8+s10], $0x80, $0x38;
	[tilespmem:$0x1BAC0] =	vst v63  }
.Ltmp1:
0x7d: {  	_ =	swait.ge @!p2 [sflag:s13], $0x80;
	(pc) =	sbr.rel @p1 .LBB2_2-.Ltmp1, $4  }
0x7e: {  	s11 =	simm.s32 @!p2 $0x180;
	[sflag:s13] =	ssyncset.done @!p2 $0x0  }
0x7f: {  	[sflag:s13] =	ssyncadd.s32 @!p2 $0xFFFFFF80;
	s13 =	simm.s32 @!p2 $0x3  }
0x80: {  	[tilespmem:s11], [sflag:$0x3] =	stream.linear.gather @!p2 [hbm4b:s6+s10], $0x80, $0x38;
	[tilespmem:$0x1BAC0] =	vst v63  }
0x81: {  	s8 =	sadd.s32 $0x20, s8;
	s6 =	sadd.s32 $0x20, s6;
	_ =	swait.ge @!p2 [sflag:s13], $0x80  }
.LBB2_3:
0x82: {  	[sflag:s13] =	ssyncset.done @!p2 $0x0  }
0x83: {  	[sflag:s13] =	ssyncadd.s32 @!p2 $0xFFFFFF80  }
0x84: {  	_ =	swait.ge [sflag:s28], $0x4000  }
0x85: {  	[sflag:s28] =	ssyncset.done $0x0  }
0x86: {  	[sflag:s28] =	ssyncadd.s32 $0xFFFFC000  }
0x87: {  	[tilespmem:s29], [sflag:$0x2] =	stream.indirect.gather [hbm4b:s4+s23], $0x80, s25, s23, $0xb8;
	[tilespmem:$0x1BAC0] =	vst v63  }
0x88: {  	_ = 	snop  }
0x89: {  	[spmem:s2] =	stream.indirect.scatter.add.f32 [tilespmem:s24], [sflag:$0x4], $0x80, s23, s23, $0xb8;
	[tilespmem:$0x1BAC0] =	vst v63  }
0x8a: {  	s9 =	sadd.s32 $0x2, s12;
	_ =	swait.ge [sflag:s30], $0x4000  }
0x8b: {  	p1 =	slt.u32 s9, s17;
	[sflag:s30] =	ssyncset.done $0x0  }
0x8c: {  	s10 =	sadd.s32 @p1 $0xFFFFFFF0, s8;
	s11 =	simm.s32 @p1 $0x0;
	[sflag:s30] =	ssyncadd.s32 $0xFFFFC000  }
0x8d: {  	[tilespmem:s11], [sflag:$0x4] =	stream.linear.gather @p1 [hbm4b:s10+s11], $0x80, $0x38;
	[tilespmem:$0x1BAC0] =	vst v63  }
0x8e: {  	s10 =	simm.s32 @p1 $0x4  }
0x8f: {  	_ =	swait.ge @p1 [sflag:s10], $0x80  }
0x90: {  	[sflag:s10] =	ssyncset.done @p1 $0x0  }
0x91: {  	s12 =	sadd.s32 @p1 $0xFFFFFFF0, s6;
	s13 =	simm.s32 @p1 $0x80;
	[sflag:s10] =	ssyncadd.s32 @p1 $0xFFFFFF80  }
0x92: {  	[tilespmem:s13], [sflag:$0x4] =	stream.linear.gather @p1 [hbm4b:s12+s11], $0x80, $0x38;
	[tilespmem:$0x1BAC0] =	vst v63  }
0x93: {  	_ =	swait.ge @p1 [sflag:s10], $0x80  }
0x94: {  	[sflag:s10] =	ssyncset.done @p1 $0x0  }
0x95: {  	[sflag:s10] =	ssyncadd.s32 @p1 $0xFFFFFF80;
	s10 =	simm.s32 @p1 $0x2  }
0x96: {  	_ =	swait.ge @p1 [sflag:s10], $0x4000  }
0x97: {  	[sflag:s10] =	ssyncset.done @p1 $0x0  }
0x98: {  	[sflag:s10] =	ssyncadd.s32 @p1 $0xFFFFC000;
	s10 =	simm.s32 @p1 $0x200  }
0x99: {  	[tilespmem:s10], [sflag:$0x1] =	stream.indirect.gather @p1 [hbm4b:s4+s13], $0x80, s11, s13, $0xb8;
	[tilespmem:$0x1BAC0] =	vst v63  }
0x9a: {  	s10 =	simm.s32 @!p1 $0x2  }
0x9b: {  	_ =	swait.ge @!p1 [sflag:s10], $0x4000  }
0x9c: {  	[sflag:s10] =	ssyncset.done @!p1 $0x0  }
0x9d: {  	[sflag:s10] =	ssyncadd.s32 @!p1 $0xFFFFC000  }
0x9e: {  	[spmem:s2] =	stream.indirect.scatter.add.f32 [tilespmem:s29], [sflag:$0x4], $0x80, s26, s23, $0xb8;
	[tilespmem:$0x1BAC0] =	vst v63  }
0x9f: {  	_ =	swait.ge [sflag:s30], $0x4000  }
0xa0: {  	p1 =	sge.u32 s9, s18;
	[sflag:s30] =	ssyncset.done $0x0  }
0xa1: {  	s9 =	simm.s32 @!p1 $0x0;
	s10 =	simm.s32 @!p1 $0x100;
	[sflag:s30] =	ssyncadd.s32 $0xFFFFC000  }
0xa2: {  	[tilespmem:s10], [sflag:$0x4] =	stream.linear.gather @!p1 [hbm4b:s8+s9], $0x80, $0x38;
	[tilespmem:$0x1BAC0] =	vst v63  }
0xa3: {  	s8 =	simm.s32 @!p1 $0x4  }
0xa4: {  	_ =	swait.ge @!p1 [sflag:s8], $0x80  }
0xa5: {  	[sflag:s8] =	ssyncset.done @!p1 $0x0  }
0xa6: {  	[sflag:s8] =	ssyncadd.s32 @!p1 $0xFFFFFF80;
	s8 =	simm.s32 @!p1 $0x180  }
0xa7: {  	[tilespmem:s8], [sflag:$0x3] =	stream.linear.gather @!p1 [hbm4b:s6+s9], $0x80, $0x38;
	[tilespmem:$0x1BAC0] =	vst v63  }
0xa8: {  	s6 =	simm.s32 @!p1 $0x3  }
0xa9: {  	_ =	swait.ge @!p1 [sflag:s6], $0x80  }
0xaa: {  	[sflag:s6] =	ssyncset.done @!p1 $0x0  }
0xab: {  	[sflag:s6] =	ssyncadd.s32 @!p1 $0xFFFFFF80  }
0xac: {  	[bflag:$0x0] =	sbarrier.arrive $0xFFFF  }
0xad: {  	s13 =	rddreg [dreg:$0xb]  }
0xae: {  	[hbm:s13], [sflag:s7] =	dma.local [spmem:s1], $0x2700  }
0xaf: {  	_ =	swait.ge [sflag:s22], $0x2700  }
0xb0: {  	[sflag:s22] =	ssyncset.done $0x0  }
0xb1: {  	s1 =	rddreg [dreg:$0xc];
	[sflag:s22] =	ssyncadd.s32 $0xFFFFD900  }
0xb2: {  	[hbm:s1], [sflag:s7] =	dma.local @!p0 [spmem:s5], $0x100  }
0xb3: {  	_ =	swait.ge @!p0 [sflag:s0], $0x100  }
0xb4: {  	s31 =	sadd.s32 $0x1, s31;
	s14 =	rddreg [dreg:$0xd]  }
0xb5: {  	p1 =	sne.s32 s31, s14  }
.Ltmp2:
0xb6: {  	_ = 	snop;
	(pc) =	sbr.rel @p1 .LBB2_1-.Ltmp2, $3  }
0xb7: {  	_ =	sdelay $0x1  }
0xb8: {  	[sflag:s0] =	ssyncset.done @!p0 $0x0  }
0xb9: {  	[sflag:s0] =	ssyncadd.s32 @!p0 $0xFFFFFF00  }
0xba: {  	_ =	sfence.sel $0x180000  }
0xbb: {  	[bflag:$0x0] =	sbarrier.arrive $0xFFFF  }
0xbc: {  	_ =	strace $0x9000004D  }
0xbd: {  	s0 =	stileid.u32;
	[bflag:$0x2] =	sbarrier.arrive $0xFFFF  }
0xbe: {  	p0 =	sne.s32 s0, $0x0;
	s0 =	rddreg [dreg:$0x4]  }
0xbf: {  	s0 =	sadd.s32 @!p0 $0x100000, s0  }
0xc0: {  	[sflag:s0] =	ssyncadd.tile.s32 @!p0 $0x1;
	_ =	shalt  }
.Lfunc_end2:
_tile_overlayer_lowered:
.L_overlay_start_2:
0xc1: {  	(tag) =	ssettag $0x2  }
0xc2: {  	s0 =	rddreg [dreg:$0x0];
	s2 =	stileid.u32  }
0xc3: {  	s1 =	rddreg [dreg:$0x1];
	p0 =	sne.s32 s2, $0x0  }
0xc4: {  	s3 =	rddreg [dreg:$0x2];
	[bflag:$0x3] =	sbarrier.arrive $0xFFFF;
	s2 =	simm.s32 @!p0 $0x1C03  }
0xc5: {  	[timem:s3], [sflag:s2] =	dma.local @!p0 [hbm:s0], s1  }
0xc6: {  	s0 =	simm.s32 @!p0 $0x3  }
0xc7: {  	_ =	swait.ge @!p0 [sflag:s0], s1  }
0xc8: {  	s1 =	ssub.s32 @!p0 $0x0, s1;
	[sflag:s0] =	ssyncset.done @!p0 $0x0  }
0xc9: {  	[sflag:s0] =	ssyncadd.s32 @!p0 s1  }
0xca: {  	[bflag:$0x3] =	sbarrier.arrive $0xFFFF  }
0xcb: {  	_ =	shalt  }

// kernel: kernel.8.cloned.1.call-start
scs
__scs_entry_jumppad:
0x0: {  	(pc) =	sbr.rel $0x88, $3  }
0x1: {  	(tag) =	ssettag $0x0;
	lr =	simm.s32 $0x1  }
0x2: {  	[smem:$0x3F99] =	sst lr;
	_ =	strace $0xD0000000  }
0x3: {  	_ = 	snop  }
0x4: {  	_ = 	snop  }
0x5: {  	_ = 	snop  }
0x6: {  	_ = 	snop  }
0x7: {  	_ = 	snop  }
__scs_overlays_trampoline_lowered:
0x8: {  	[smem:$0x3FA8] =	sst s0  }
0x9: {  	[smem:$0x3FA9] =	sst s1  }
0xa: {  	[smem:$0x3FAA] =	sst s2  }
0xb: {  	[smem:$0x3FAB] =	sst s3  }
0xc: {  	[smem:$0x3FAC] =	sst s4  }
0xd: {  	[smem:$0x3FAD] =	sst s5  }
0xe: {  	[smem:$0x3FAE] =	sst s6  }
0xf: {  	[smem:$0x3FAF] =	sst s7  }
0x10: {  	[smem:$0x3FB0] =	sst s8  }
0x11: {  	[smem:$0x3FB1] =	sst s9;
	s0 =	simm.s32 @!p0 $0x0  }
0x12: {  	s1 =	sld [smem:$0x3F97];
	s0 =	simm.s32 @p0 $0x1  }
0x13: {  	[smem:$0x3FB2] =	sst s0;
	s0 =	simm.s32 @!p1 $0x0  }
0x14: {  	s2 =	sld [smem:$0x3F96];
	s0 =	simm.s32 @p1 $0x1  }
0x15: {  	[smem:$0x3FB3] =	sst s0;
	s0 =	simm.s32 @!p2 $0x0  }
0x16: {  	s3 =	sld [smem:$0x3FDB];
	s0 =	simm.s32 @p2 $0x1  }
0x17: {  	s4 =	simm.s32 $0x1BF5;
	[smem:$0x3FB5] =	sst s0  }
0x18: {  	s0 =	sld [smem:$0x3F98];
	_ =	swait.ge [sflag:s4], $0x0  }
0x19: {  	s7 =	sld [smem:$0x3F99]  }
0x1a: {  	s8 =	sadd.s32 $0xFFFFE003, lr  }
0x1b: {  	s9 =	sadd.s32 $0xFFFFFEF7, lr;
	s5 =	simm.s32 $0xFFFFFFFF;
	p2 =	slt.u32 s8, $0xFFFFF086  }
0x1c: {  	p1 =	slt.u32 s9, $0xF7A;
	s5 =	simm.s32 @!p2 $0x0  }
0x1d: {  	s5 =	simm.s32 @p1 $0x1;
	p0 =	seq.s32 s7, s2  }
0x1e: {  	s7 =	smul.u32 @!p0 $0xF7A, s2;
	p2 =	seq.s32 @!p0 s5, $0x0  }
0x1f: {  	s9 =	smul.u32 $0xF7A, s1;
	s8 =	simm.s32 @!p0 $0x1BF5;
	p2 =	por !p2, p0  }
0x20: {  	[sflag:s8] =	ssyncset.s32 @!p0 $0xFFFFF086;
	s6 =	sadd.s32 @!p0 s3, s7;
	s7 =	simm.s32 @!p0 $0x108  }
0x21: {  	s3 =	sadd.s32 s3, s9;
	s6 =	sadd.s32 @!p0 $0x88, s6;
	s7 =	simm.s32 @p2 $0x1082  }
0x22: {  	[simem:s7], [sflag:s8] =	dma.local @!p0 [hbm:s6], $0xF7A  }
0x23: {  	s9 =	sor.u32 $0xD0000000, s2;
	s6 =	simm.s32 $0x108;
	_ =	swait.ge @!p0 [sflag:s8], $0x0  }
0x24: {  	s3 =	sadd.s32 $0x88, s3;
	s6 =	simm.s32 @!p1 $0x1082;
	[sflag:s4] =	ssyncset.s32 $0xFFFFF086  }
0x25: {  	[simem:s6], [sflag:s4] =	dma.local [hbm:s3], $0xF7A  }
0x26: {  	[smem:$0x3F99] =	sst s1;
	(tag) =	ssettag s2;
	_ =	strace s9  }
0x27: {  	s1 =	sld [smem:$0x3FA9]  }
0x28: {  	s2 =	sld [smem:$0x3FAA]  }
0x29: {  	s4 =	sld [smem:$0x3FAC]  }
0x2a: {  	p0 =	seq.s32 s5, $0x0;
	s5 =	sld [smem:$0x3FAD]  }
0x2b: {  	s6 =	sld [smem:$0x3FAE]  }
0x2c: {  	s7 =	sld [smem:$0x3FAF]  }
0x2d: {  	s3 =	simm.s32 $0x108;
	s8 =	sld [smem:$0x3FB0]  }
0x2e: {  	s3 =	simm.s32 @!p0 $0x1082;
	s9 =	sld [smem:$0x3FB1]  }
0x2f: {  	lr =	sadd.s32 s0, s3;
	s0 =	sld [smem:$0x3FA8]  }
0x30: {  	s3 =	sld [smem:$0x3FAB]  }
0x31: {  	[smem:$0x3FB4] =	sst s10  }
0x32: {  	s10 =	sld [smem:$0x3FB2];
	_ =	sdelay $0x3  }
0x33: {  	p0 =	seq.s32 s10, $0x1;
	s10 =	sld [smem:$0x3FB4];
	_ =	sdelay $0x3  }
0x34: {  	[smem:$0x3FB4] =	sst s10  }
0x35: {  	s10 =	sld [smem:$0x3FB3];
	_ =	sdelay $0x3  }
0x36: {  	p1 =	seq.s32 s10, $0x1;
	s10 =	sld [smem:$0x3FB4];
	_ =	sdelay $0x3  }
0x37: {  	[smem:$0x3FB4] =	sst s10  }
0x38: {  	s10 =	sld [smem:$0x3FB5]  }
0x39: {  	_ = 	snop;
	(pc) =	sbr.ind lr, $3  }
0x3a: {  	_ = 	snop  }
0x3b: {  	_ = 	snop  }
0x3c: {  	p2 =	seq.s32 s10, $0x1;
	s10 =	sld [smem:$0x3FB4]  }
0x3d: {  	_ =	shalt  }
0x3e: {  	_ =	shalt  }
0x3f: {  	_ =	shalt  }
0x40: {  	_ =	shalt  }
0x41: {  	_ =	shalt  }
0x42: {  	_ =	shalt  }
0x43: {  	_ =	shalt  }
0x44: {  	_ =	shalt  }
0x45: {  	_ =	shalt  }
0x46: {  	_ =	shalt  }
0x47: {  	_ =	shalt  }
0x48: {  	_ =	shalt  }
0x49: {  	_ =	shalt  }
0x4a: {  	_ =	shalt  }
0x4b: {  	_ =	shalt  }
0x4c: {  	_ =	shalt  }
0x4d: {  	_ =	shalt  }
0x4e: {  	_ =	shalt  }
0x4f: {  	_ =	shalt  }
0x50: {  	_ =	shalt  }
0x51: {  	_ =	shalt  }
0x52: {  	_ =	shalt  }
0x53: {  	_ =	shalt  }
0x54: {  	_ =	shalt  }
0x55: {  	_ =	shalt  }
0x56: {  	_ =	shalt  }
0x57: {  	_ =	shalt  }
0x58: {  	_ =	shalt  }
0x59: {  	_ =	shalt  }
0x5a: {  	_ =	shalt  }
0x5b: {  	_ =	shalt  }
0x5c: {  	_ =	shalt  }
0x5d: {  	_ =	shalt  }
0x5e: {  	_ =	shalt  }
0x5f: {  	_ =	shalt  }
0x60: {  	_ =	shalt  }
0x61: {  	_ =	shalt  }
0x62: {  	_ =	shalt  }
0x63: {  	_ =	shalt  }
0x64: {  	_ =	shalt  }
0x65: {  	_ =	shalt  }
0x66: {  	_ =	shalt  }
0x67: {  	_ =	shalt  }
0x68: {  	_ =	shalt  }
0x69: {  	_ =	shalt  }
0x6a: {  	_ =	shalt  }
0x6b: {  	_ =	shalt  }
0x6c: {  	_ =	shalt  }
0x6d: {  	_ =	shalt  }
0x6e: {  	_ =	shalt  }
0x6f: {  	_ =	shalt  }
0x70: {  	_ =	shalt  }
0x71: {  	_ =	shalt  }
0x72: {  	_ =	shalt  }
0x73: {  	_ =	shalt  }
0x74: {  	_ =	shalt  }
0x75: {  	_ =	shalt  }
0x76: {  	_ =	shalt  }
0x77: {  	_ =	shalt  }
0x78: {  	_ =	shalt  }
0x79: {  	_ =	shalt  }
0x7a: {  	_ =	shalt  }
0x7b: {  	_ =	shalt  }
0x7c: {  	_ =	shalt  }
0x7d: {  	_ =	shalt  }
0x7e: {  	_ =	shalt  }
0x7f: {  	_ =	shalt  }
0x80: {  	_ =	shalt  }
0x81: {  	_ =	shalt  }
0x82: {  	_ =	shalt  }
0x83: {  	_ =	shalt  }
0x84: {  	_ =	shalt  }
0x85: {  	_ =	shalt  }
0x86: {  	_ =	shalt  }
0x87: {  	_ =	shalt  }
.Lfunc_end0:
.L_simem_size_0:
called_computation_lowered:
.L_overlay_start_0:
0x88: {  	s2 =	sld [smem:$0x3FD9]  }
0x89: {  	s3 =	sld [smem:$0x3FFE];
	_ =	sdelay $0x1  }
0x8a: {  	s1 =	srdreg.scid  }
0x8b: {  	s0 =	sand.u32 $0x1, s1  }
0x8c: {  	s14 =	sshll.u32 s0, $0xA;
	s2 =	sadd.s32 s3, s2  }
0x8d: {  	s2 =	sadd.s32 s2, s14  }
0x8e: {  	[smem:$0x3FC0] =	sst s2  }
0x8f: {  	_ = 	snop  }
0x90: {  	s2 =	sld [smem:$0x3FD0];
	_ =	sdelay $0x2  }
0x91: {  	s15 =	simm.s32 $0xA;
	s4 =	simm.s32 $0x10  }
0x92: {  	[smem:s4], [sflag:s15] =	dma.local [hbm:s2], $0x1  }
0x93: {  	_ =	swait.eq [sflag:s15], $0x1  }
0x94: {  	[sflag:s15] =	ssyncset.done $0x0  }
0x95: {  	[sflag:s15] =	ssyncadd.s32 $0xFFFFFFFF  }
0x96: {  	s16 =	sld [smem:$0x11];
	(tm) =	ssettm $0x1  }
0x97: {  	s17 =	sld [smem:$0x3FFB];
	_ =	sdelay $0x3  }
0x98: {  	_ =	strace s17  }
0x99: {  	s3 =	sld [smem:$0x3FFC];
	_ =	sdelay $0x3  }
0x9a: {  	_ =	strace s3  }
0x9b: {  	s3 =	sld [smem:$0x3FFD];
	_ =	sdelay $0x3  }
0x9c: {  	_ =	strace s3  }
0x9d: {  	_ =	strace $0x8FFFFFFF  }
0x9e: {  	s18 =	sld [smem:$0x3FDB];
	_ =	sdelay $0x1  }
0x9f: {  	s19 =	simm.s32 $_scs_section_size  }
0xa0: {  	s5 =	simm.s32 $_size__tile_overlayer_lowered;
	s6 =	simm.s32 $_tile_overlayer_lowered  }
0xa1: {  	s22 =	simm.s32 $0x1BFF;
	s21 =	sshll.u32 s6, $0x1;
	s3 =	sadd.s32 s19, s18  }
0xa2: {  	s7 =	simm.s32 $0x0;
	s20 =	sshll.u32 s5, $0x1;
	s5 =	sadd.s32 s21, s3  }
0xa3: {  	[timem:s7], [sflag:s22] =	dma.local [hbm:s5], s20  }
0xa4: {  	_ =	swait.ge [sflag:s22], s20  }
0xa5: {  	s4 =	ssub.s32 $0x0, s20;
	[sflag:s22] =	ssyncset.done $0x0  }
0xa6: {  	[sflag:s22] =	ssyncadd.s32 s4;
	_ =	sdelay $0x1  }
0xa7: {  	s23 =	simm.s32 $0x1B8B  }
0xa8: {  	_ =	swait.ge [sflag:s23], $0x1  }
0xa9: {  	[sflag:s23] =	ssyncset.done $0x0  }
0xaa: {  	s25 =	simm.s32 $0x1B8E;
	s24 =	sld [smem:$0x3FFE];
	[sflag:s23] =	ssyncadd.s32 $0xFFFFFFFF  }
0xab: {  	s26 =	simm.s32 $execute0_lowered;
	[smem:$0x3FD2] =	sst s25  }
0xac: {  	s5 =	sshll.u32 s26, $0x1;
	_ =	strace $0x80000046;
	[dreg:$0x1] =	wrdreg $0xFFFFFFFF  }
0xad: {  	s28 =	simm.s32 $_size_execute0_lowered;
	s3 =	sadd.s32 s3, s5;
	[dreg:$0x0] =	wrdreg $0x0  }
0xae: {  	s5 =	sshll.u32 s28, $0x1;
	[dreg:$0x2] =	wrdreg s3  }
0xaf: {  	[dreg:$0x3] =	wrdreg s5  }
0xb0: {  	[dreg:$0x4] =	wrdreg $0xC0  }
0xb1: {  	_ =	task [dreg:s7], $0x5FFFF  }
0xb2: {  	[dreg:$0x1] =	wrdreg $0xFFFFFFFF  }
0xb3: {  	[dreg:$0x0] =	wrdreg $0x60  }
0xb4: {  	[dreg:$0x2] =	wrdreg s16  }
0xb5: {  	[dreg:$0x3] =	wrdreg s24  }
0xb6: {  	[dreg:$0x4] =	wrdreg $0x40800  }
0xb7: {  	[dreg:$0x5] =	wrdreg $0x9  }
0xb8: {  	_ =	task.clear_ibuf [dreg:s7], $0x6FFFF;
	_ =	strace $0x90000046  }
0xb9: {  	s29 =	simm.s32 $0x9;
	_ =	strace $0x80000048  }
0xba: {  	_ =	swait.ge [sflag:s29], $0x1  }
0xbb: {  	[sflag:s29] =	ssyncadd.s32 $0xFFFFFFFF  }
0xbc: {  	_ =	strace $0x90000048  }
0xbd: {  	_ =	sfence  }
0xbe: {  	s30 =	sld [smem:$0x0];
	_ =	sdelay $0x2  }
0xbf: {  	s31 =	sshll.u32 s1, $0xD;
	s1 =	sshrl.u32 s1, $0x2  }
0xc0: {  	s3 =	sand.u32 $0x4000, s31;
	s1 =	sadd.s32 s1, s30  }
0xc1: {  	s0 =	sor.u32 s3, s0;
	s1 =	sshll.u32 s1, $0x11  }
0xc2: {  	s0 =	sor.u32 s1, s0  }
0xc3: {  	s0 =	sadd.s32 $0x8F2B, s0  }
0xc4: {  	[sflag:s0] =	ssyncadd.remote.s32 $0x1  }
0xc5: {  	_ =	sfence.sel $0xFFFF  }
0xc6: {  	[dreg:$0x0] =	wrdreg $0xFFFFFFFF;
	(pc) =	sbr.abs _section_cstart, $3  }
0xc7: {  	[dreg:$0x1] =	wrdreg $0xFFFFFFFF  }
0xc8: {  	_ =	task.clear_ibuf [dreg:s7], $0x2FFFF;
	_ =	strace $0x9FFFFFFF  }
0xc9: {  	(tm) =	ssettm $0x7FFFFFFF  }
tec
execute0_lowered:
.L_overlay_start_1:
0x0: {  	(tag) =	ssettag $0x1  }
0x1: {  	s10 =	rddreg [dreg:$0x0]  }
0x2: {  	s6 =	rddreg [dreg:$0x1]  }
0x3: {  	s2 =	rddreg [dreg:$0x2]  }
0x4: {  	s0 =	rddreg [dreg:$0x3];
	s1 =	stileid.u32  }
0x5: {  	s3 =	simm.s32 $0x0;
	s4 =	srdreg.scid;
	s7 =	smul.u32 $0x2700, s1  }
0x6: {  	[smem:$0x7FF] =	sst s3;
	s9 =	smul.u32 $0x4E000, s1  }
0x7: {  	s8 =	sand.u32 $0x1, s4;
	s4 =	sadd.s32 $0x2A00, s6;
	s30 =	smul.u32 $0x500, s1  }
0x8: {  	s11 =	sadd.s32 $0x2A400, s6;
	s16 =	sadd.s32 $0x138000, s2;
	s14 =	smul.u32 $0x27100, s8  }
0x9: {  	p0 =	sne.s32 s1, $0xF;
	s31 =	sshll.u32 s1, $0x6;
	s26 =	smul.u32 $0x138800, s8  }
0xa: {  	_ =	strace $0x80000047;
	s12 =	ssub.s32 $0x2, s8;
	s28 =	smul.u32 $0x5000, s8  }
0xb: {  	s5 =	sadd.s32 s7, s6;
	s13 =	sshrl.u32 s12, $0x1;
	s9 =	sshrl.u32 s9, $0x2  }
0xc: {  	s6 =	sadd.s32 $0x2A200, s6;
	s12 =	ssub.s32 s12, s13;
	s15 =	sadd.s32 s9, s2  }
0xd: {  	s5 =	sadd.s32 $0x3200, s5;
	s7 =	sadd.s32 s7, s14;
	s9 =	sshrl.u32 s26, $0x3  }
0xe: {  	s10 =	sadd.s32 s28, s10;
	s13 =	sor.u32 $0x1C01, s31;
	s7 =	sadd.s32 s11, s7  }
0xf: {  	s29 =	sadd.s32 s11, s9;
	s9 =	smax.u32 s12, $0x1;
	s10 =	sadd.s32 s30, s10  }
0x10: {  	s11 =	simm.s32 $0x80;
	s12 =	simm.s32 $0x1;
	s14 =	sshrl.u32 s15, $0x3  }
0x11: {  	s15 =	sshrl.u32 @!p0 s16, $0x3;
	s16 =	simm.s32 $0x0;
	s8 =	sadd.s32 $0x27000, s29  }
.LBB2_1:
0x12: {  	[tilespmem:s11], [sflag:$0x1] =	stream.linear.gather [hbm4b:s4+s3], $0x4000, $0x38;
	[tilespmem:$0x17940] =	vst v63  }
0x13: {  	_ =	swait.ge [sflag:s12], $0x4000  }
0x14: {  	[sflag:s12] =	ssyncset.done $0x0  }
0x15: {  	[sflag:s12] =	ssyncadd.s32 $0xFFFFC000  }
0x16: {  	[spmem:s14], [sflag:s13] =	dma.local [hbm:s5], $0x2700  }
0x17: {  	_ =	swait.ge [sflag:s12], $0x2700  }
0x18: {  	[sflag:s12] =	ssyncset.done $0x0  }
0x19: {  	s17 =	simm.s32 @!p0 $0x1;
	[sflag:s12] =	ssyncadd.s32 $0xFFFFD900  }
0x1a: {  	[spmem:s15], [sflag:s13] =	dma.local @!p0 [hbm:s6], $0x100  }
0x1b: {  	_ =	swait.ge @!p0 [sflag:s17], $0x100  }
0x1c: {  	[sflag:s17] =	ssyncset.done @!p0 $0x0  }
0x1d: {  	[sflag:s17] =	ssyncadd.s32 @!p0 $0xFFFFFF00  }
0x1e: {  	s31 =	sadd.s32 $0x0, s10;
	[bflag:$0x0] =	sbarrier.arrive $0xFFFF  }
0x1f: {  	[tilespmem:s3], [sflag:$0x1] =	stream.linear.gather [hbm4b:s31+s3], $0x80, $0x38;
	[tilespmem:$0x17940] =	vst v63  }
0x20: {  	_ =	swait.ge [sflag:s12], $0x80  }
0x21: {  	[sflag:s12] =	ssyncset.done $0x0  }
0x22: {  	[sflag:s12] =	ssyncadd.s32 $0xFFFFFF80  }
0x23: {  	[spmem:s2] =	stream.indirect.scatter.add.f32 [tilespmem:s11], [sflag:$0x1], $0x80, s3, s11, $0xb8;
	[tilespmem:$0x17940] =	vst v63  }
0x24: {  	_ =	swait.ge [sflag:s12], $0x4000  }
0x25: {  	s18 =	simm.s32 $0x20;
	s17 =	simm.s32 $0x10;
	[sflag:s12] =	ssyncset.done $0x0  }
.LBB2_2:
0x26: {  	s19 =	sadd.s32 s17, s10  }
0x27: {  	[sflag:s12] =	ssyncadd.s32 $0xFFFFC000;
	s17 =	smov.u32 s18;
	s20 =	sadd.s32 $0x10, s18  }
0x28: {  	[tilespmem:s3], [sflag:$0x1] =	stream.linear.gather [hbm4b:s19+s3], $0x80, $0x38;
	[tilespmem:$0x17940] =	vst v63  }
0x29: {  	p1 =	sne.s32 s18, $0x4F0;
	_ =	swait.ge [sflag:s12], $0x80  }
.Ltmp0:
0x2a: {  	[sflag:s12] =	ssyncset.done $0x0;
	(pc) =	sbr.rel @p1 .LBB2_2-.Ltmp0, $4  }
0x2b: {  	[sflag:s12] =	ssyncadd.s32 $0xFFFFFF80  }
0x2c: {  	[spmem:s2] =	stream.indirect.scatter.add.f32 [tilespmem:s11], [sflag:$0x1], $0x80, s3, s11, $0xb8;
	[tilespmem:$0x17940] =	vst v63  }
0x2d: {  	_ =	swait.ge [sflag:s12], $0x4000  }
0x2e: {  	s18 =	smov.u32 s20;
	[sflag:s12] =	ssyncset.done $0x0  }
0x2f: {  	s17 =	sadd.s32 s17, s10;
	[sflag:s12] =	ssyncadd.s32 $0xFFFFC000  }
0x30: {  	[tilespmem:s3], [sflag:$0x1] =	stream.linear.gather [hbm4b:s17+s3], $0x80, $0x38;
	[tilespmem:$0x17940] =	vst v63  }
0x31: {  	_ =	swait.ge [sflag:s12], $0x80  }
0x32: {  	[sflag:s12] =	ssyncset.done $0x0  }
0x33: {  	[sflag:s12] =	ssyncadd.s32 $0xFFFFFF80  }
0x34: {  	[spmem:s2] =	stream.indirect.scatter.add.f32 [tilespmem:s11], [sflag:$0x1], $0x80, s3, s11, $0xb8;
	[tilespmem:$0x17940] =	vst v63  }
0x35: {  	_ =	swait.ge [sflag:s12], $0x4000  }
0x36: {  	[sflag:s12] =	ssyncset.done $0x0  }
0x37: {  	[sflag:s12] =	ssyncadd.s32 $0xFFFFC000  }
0x38: {  	[bflag:$0x0] =	sbarrier.arrive $0xFFFF  }
0x39: {  	[hbm:s7], [sflag:s13] =	dma.local [spmem:s14], $0x2700  }
0x3a: {  	s16 =	sadd.s32 $0x1, s16;
	_ =	swait.ge [sflag:s12], $0x2700  }
0x3b: {  	p1 =	sne.s32 s16, s9;
	[sflag:s12] =	ssyncset.done $0x0  }
.Ltmp1:
0x3c: {  	s17 =	simm.s32 @!p0 $0x1;
	[sflag:s12] =	ssyncadd.s32 $0xFFFFD900;
	(pc) =	sbr.rel @p1 .LBB2_1-.Ltmp1, $4  }
0x3d: {  	[hbm:s8], [sflag:s13] =	dma.local @!p0 [spmem:s15], $0x100  }
0x3e: {  	_ =	swait.ge @!p0 [sflag:s17], $0x100  }
0x3f: {  	[sflag:s17] =	ssyncset.done @!p0 $0x0  }
0x40: {  	[sflag:s17] =	ssyncadd.s32 @!p0 $0xFFFFFF00  }
0x41: {  	_ =	sfence.sel $0x180000  }
0x42: {  	[bflag:$0x0] =	sbarrier.arrive $0xFFFF  }
0x43: {  	p0 =	sne.s32 s1, $0x0;
	_ =	strace $0x90000047  }
0x44: {  	s0 =	sadd.s32 @!p0 $0x100000, s0;
	[bflag:$0x2] =	sbarrier.arrive $0xFFFF  }
0x45: {  	[sflag:s0] =	ssyncadd.tile.s32 @!p0 $0x1;
	_ =	shalt  }
.Lfunc_end2:
_tile_overlayer_lowered:
.L_overlay_start_2:
0x46: {  	(tag) =	ssettag $0x2  }
0x47: {  	s0 =	rddreg [dreg:$0x0];
	s2 =	stileid.u32  }
0x48: {  	s1 =	rddreg [dreg:$0x1];
	p0 =	sne.s32 s2, $0x0  }
0x49: {  	s3 =	rddreg [dreg:$0x2];
	[bflag:$0x3] =	sbarrier.arrive $0xFFFF;
	s2 =	simm.s32 @!p0 $0x1C01  }
0x4a: {  	[timem:s3], [sflag:s2] =	dma.local @!p0 [hbm:s0], s1  }
0x4b: {  	s0 =	simm.s32 @!p0 $0x1  }
0x4c: {  	_ =	swait.ge @!p0 [sflag:s0], s1  }
0x4d: {  	s1 =	ssub.s32 @!p0 $0x0, s1;
	[sflag:s0] =	ssyncset.done @!p0 $0x0  }
0x4e: {  	[sflag:s0] =	ssyncadd.s32 @!p0 s1  }
0x4f: {  	[bflag:$0x3] =	sbarrier.arrive $0xFFFF  }
0x50: {  	_ =	shalt  }

</sc_bundles>
